<compile_context>
chip_gen: v7x
topology: tpu7x:2x2x1
jax: 0.10.2.dev20260603
libtpu: 0.0.44.dev20260713+nightly
codegen_flags: <defaults>
</compile_context>

<pallas_src>
import jax
import jax.numpy as jnp
from jax.experimental import pallas as pl
from jax.experimental.pallas import tpu as pltpu
from jax.experimental.pallas import tpu_sc as plsc

_N = 10000
_BN_TC = 400
_S0 = 6000
_NSC = _N - _S0
_NW = 32
_L = 16
_SUB = 4
_TSUP = _NSC // _L
_BSUP = _TSUP // _NW
_XTRA = _TSUP % _NW
_MAXR = _L * (_BSUP + (1 if _XTRA else 0))


def _v_row_kernel(x_ref, wt_ref, b_ref, v_ref):
    wbar_row = jnp.mean(wt_ref[...], axis=0, keepdims=True)
    bbar = jnp.mean(b_ref[...])
    v_ref[...] = jax.lax.dot_general(
        wbar_row, x_ref[...],
        (((1,), (1,)), ((), ())),
        preferred_element_type=jnp.float32,
        precision=jax.lax.Precision.HIGHEST,
    ) + bbar


def _tc_matvec_kernel(adj_ref, vrow_ref, out_ref):
    out_ref[...] = jnp.sum(adj_ref[...] * vrow_ref[...], axis=1,
                           keepdims=True)


def _sc_matvec_body(adj_hbm, v_hbm, out_hbm, v_vmem, buf, outv, sem0, sem1):
    c = jax.lax.axis_index("c")
    s = jax.lax.axis_index("s")
    wid = s * 2 + c
    nsuper = _BSUP + jnp.where(wid < _XTRA, 1, 0)
    supers_before = _BSUP * wid + jnp.minimum(wid, _XTRA)
    base = _S0 + _L * supers_before
    obase = _L * supers_before
    nsub = nsuper * (_L // _SUB)

    pltpu.sync_copy(v_hbm, v_vmem)

    sems = (sem0, sem1)

    def dma(k, slot):
        return pltpu.make_async_copy(
            adj_hbm.at[pl.ds(base + k * _SUB, _SUB)], buf.at[slot],
            sems[slot])

    dma(0, 0).start()

    nchunk = _N // _L

    def super_body(sb, carry):
        accs = []
        for q in range(_L // _SUB):
            k = sb * (_L // _SUB) + q
            slot = q % 2
            dma(k, slot).wait()

            @pl.when(k + 1 < nsub)
            def _():
                dma(k + 1, (q + 1) % 2).start()

            z = jnp.zeros((_L,), jnp.float32)

            @plsc.parallel_loop(0, nchunk, step=1, unroll=8,
                                carry=(z, z, z, z))
            def chunk_body(j, acc4):
                a0, a1, a2, a3 = acc4
                o = j * _L
                vc = v_vmem[pl.ds(o, _L)]
                a0 = a0 + buf[slot, 0, pl.ds(o, _L)] * vc
                a1 = a1 + buf[slot, 1, pl.ds(o, _L)] * vc
                a2 = a2 + buf[slot, 2, pl.ds(o, _L)] * vc
                a3 = a3 + buf[slot, 3, pl.ds(o, _L)] * vc
                return a0, a1, a2, a3

            accs.extend(chunk_body)
        lane_ids = jax.lax.iota(jnp.int32, _L)
        res = jnp.zeros((_L,), jnp.float32)
        for r, acc in enumerate(accs):
            res = jnp.where(lane_ids == r, jnp.sum(acc), res)
        outv[pl.ds(sb * _L, _L)] = res
        return carry

    jax.lax.fori_loop(0, nsuper, super_body, 0)

    if _XTRA:
        @pl.when(wid < _XTRA)
        def _():
            pltpu.sync_copy(outv, out_hbm.at[pl.ds(obase, _MAXR)])

        @pl.when(wid >= _XTRA)
        def _():
            pltpu.sync_copy(outv.at[pl.ds(0, _L * _BSUP)],
                            out_hbm.at[pl.ds(obase, _L * _BSUP)])
    else:
        pltpu.sync_copy(outv, out_hbm.at[pl.ds(obase, _MAXR)])


_sc_matvec = pl.kernel(
    _sc_matvec_body,
    out_type=jax.ShapeDtypeStruct((_NSC,), jnp.float32),
    mesh=plsc.VectorSubcoreMesh(core_axis_name="c", subcore_axis_name="s"),
    compiler_params=pltpu.CompilerParams(needs_layout_passes=False),
    scratch_types=[
        pltpu.VMEM((_N,), jnp.float32),
        pltpu.VMEM((2, _SUB, _N), jnp.float32),
        pltpu.VMEM((_MAXR,), jnp.float32),
        pltpu.SemaphoreType.DMA,
        pltpu.SemaphoreType.DMA,
    ],
)


def kernel(x, adj, W, b):
    n, d = x.shape
    c = W.shape[1]
    vrow = pl.pallas_call(
        _v_row_kernel,
        out_shape=jax.ShapeDtypeStruct((1, n), jnp.float32),
    )(x, W.T, b.reshape(1, c))

    out_tc = pl.pallas_call(
        _tc_matvec_kernel,
        grid=(_S0 // _BN_TC,),
        in_specs=[
            pl.BlockSpec((_BN_TC, n), lambda i: (i, 0)),
            pl.BlockSpec((1, n), lambda i: (0, 0)),
        ],
        out_specs=pl.BlockSpec((_BN_TC, 1), lambda i: (i, 0)),
        out_shape=jax.ShapeDtypeStruct((_S0, 1), jnp.float32),
    )(adj, vrow)

    out_sc = _sc_matvec(adj, vrow.reshape(n))
    return jnp.concatenate([out_tc[:, 0], out_sc])

# --- scband reference (transcript-rebuilt; emitter-appended) ---
"""Pipeline reference for scband-gcndecoder-86870008529057 (READ-ONLY COPY).

The authoritative reference and input builder live on the scoring server;
editing this copy changes nothing except your own understanding.
"""

import jax, jax.numpy as jnp
import numpy as np

N, D, C = 10000, 128, 7

def setup_inputs(seed: int = 0) -> dict:
    key = jax.random.key(seed)
    k1, k2, k3 = jax.random.split(key, 3)
    x = jax.random.normal(k1, (N, D), dtype=jnp.float32)
    adj = jax.random.uniform(k2, (N, N), dtype=jnp.float32)
    # learned params of GraphConvolution(dim=128, n_classes=7, bias=True)
    W = jax.random.normal(k3, (D, C), dtype=jnp.float32) * (1.0 / np.sqrt(D))
    b = jnp.zeros((C,), dtype=jnp.float32)
    return {"x": x, "adj": adj, "W": W, "b": b}

def reference(x, adj, W, b):
    # Hyperbolic -> tangent map: with Euclidean/zero-curvature setup (c fixed),
    # logmap0 and proj_tan0 act as identity on the node embeddings.
    h = x
    # GraphConvolution: dropout(p=0.0) is identity in eval; act is identity (lambda x: x)
    support = h @ W + b
    out = adj @ support  # neighborhood aggregation via dense adjacency
    # Decoder.decode with decode_adj=True averages over dim=1
    probs = out.mean(axis=1)
    return probs

if __name__ == "__main__":
    import jax
    _d = setup_inputs()
    print(jax.jit(kernel)(*tuple(_d.values())))

</pallas_src>

<mosaic_0001>
#map = affine_map<(d0, d1) -> (0, 0)>
#map1 = affine_map<(d0, d1) -> (0)>
module attributes {stable_mosaic.version = 14 : i64} {
  func.func @_sc_matvec_body(%arg0: i32, %arg1: i32, %arg2: memref<10000x10000xf32, #tpu.memory_space<hbm>>, %arg3: memref<10000xf32, #tpu.memory_space<hbm>>, %arg4: memref<4000xf32, #tpu.memory_space<hbm>>, %arg5: memref<10000xf32, #tpu.memory_space<vmem>>, %arg6: memref<2x4x10000xf32, #tpu.memory_space<vmem>>, %arg7: memref<128xf32, #tpu.memory_space<vmem>>, %arg8: memref<!tpu.dma_semaphore, #tpu.memory_space<semaphore_mem>>, %arg9: memref<!tpu.dma_semaphore, #tpu.memory_space<semaphore_mem>>) attributes {dimension_semantics = [#tpu.dimension_semantics<core_parallel>, #tpu.dimension_semantics<subcore_parallel>], iteration_bounds = array<i64: 2, 16>, scalar_prefetch = 0 : i64, scratch_operands = 5 : i64, tpu.core_type = #tpu.core_type<sc_vector_subcore>, window_params = [{transform_indices = #map}, {transform_indices = #map1}, {transform_indices = #map1}]} {
    %mul3A = arith.constant 2 : i32
    %mul3A_0 = arith.muli %arg1, %mul3A : i32
    %add3A = arith.addi %mul3A_0, %arg0 : i32
    %lt3A = arith.constant 26 : i32
    %lt3A_1 = arith.cmpi slt, %add3A, %lt3A : i32
    %jit3A = arith.constant 1 : i32
    %jit3A_2 = arith.constant 0 : i32
    %select_n3A = arith.select %lt3A_1, %jit3A, %jit3A_2 : i32
    %add3A_3 = arith.constant 7 : i32
    %add3A_4 = arith.addi %add3A_3, %select_n3A : i32
    %mul3A_5 = arith.constant 7 : i32
    %mul3A_6 = arith.muli %mul3A_5, %add3A : i32
    %min3A = arith.constant 26 : i32
    %min3A_7 = arith.minsi %add3A, %min3A : i32
    %add3A_8 = arith.addi %mul3A_6, %min3A_7 : i32
    %mul3A_9 = arith.constant 16 : i32
    %mul3A_10 = arith.muli %mul3A_9, %add3A_8 : i32
    %add3A_11 = arith.constant 6000 : i32
    %add3A_12 = arith.addi %add3A_11, %mul3A_10 : i32
    %mul3A_13 = arith.constant 16 : i32
    %mul3A_14 = arith.muli %mul3A_13, %add3A_8 : i32
    %mul3A_15 = arith.constant 4 : i32
    %mul3A_16 = arith.muli %add3A_4, %mul3A_15 : i32
    "tpu.region"() ({
      %run_scoped3A = tpu.sem_alloc : memref<!tpu.dma_semaphore, #tpu.memory_space<semaphore_mem>>
      tpu.enqueue_dma source(%arg3 : memref<10000xf32, #tpu.memory_space<hbm>>) target(%arg5 : memref<10000xf32, #tpu.memory_space<vmem>>) target_semaphore(%run_scoped3A : memref<!tpu.dma_semaphore, #tpu.memory_space<semaphore_mem>>)
      tpu.wait_dma2 semaphore(%run_scoped3A : memref<!tpu.dma_semaphore, #tpu.memory_space<semaphore_mem>>) src(%arg3 : memref<10000xf32, #tpu.memory_space<hbm>>) dst(%arg5 : memref<10000xf32, #tpu.memory_space<vmem>>)
      tpu.yield
    }) : () -> ()
    %add3A_17 = arith.constant 0 : i32
    %add3A_18 = arith.addi %add3A_12, %add3A_17 : i32
    %dma_start3A = arith.constant 0 : i32
    %dma_start3A_19 = arith.constant 0 : i32
    %dma_start3A_20 = arith.constant 0 : i32
    %dma_start3A_21 = tpu.memref_slice %arg6[%dma_start3A, %dma_start3A_19, %dma_start3A_20] : memref<2x4x10000xf32, #tpu.memory_space<vmem>> -> memref<1x4x10000xf32, #tpu.memory_space<vmem>>
    %dma_start3A_22 = tpu.memref_squeeze %dma_start3A_21 : memref<1x4x10000xf32, #tpu.memory_space<vmem>> -> memref<4x10000xf32, #tpu.memory_space<vmem>>
    %dma_start3A_23 = arith.constant 0 : i32
    %dma_start3A_24 = tpu.memref_slice %arg2[%add3A_18, %dma_start3A_23] : memref<10000x10000xf32, #tpu.memory_space<hbm>> -> memref<4x10000xf32, #tpu.memory_space<hbm>>
    %dma_start3A_25 = arith.constant 0 : i32
    %dma_start3A_26 = arith.constant 0 : i32
    %dma_start3A_27 = tpu.memref_slice %arg6[%dma_start3A, %dma_start3A_25, %dma_start3A_26] : memref<2x4x10000xf32, #tpu.memory_space<vmem>> -> memref<1x4x10000xf32, #tpu.memory_space<vmem>>
    %dma_start3A_28 = tpu.memref_squeeze %dma_start3A_27 : memref<1x4x10000xf32, #tpu.memory_space<vmem>> -> memref<4x10000xf32, #tpu.memory_space<vmem>>
    %dma_start3A_29 = arith.constant 0 : i32
    %dma_start3A_30 = tpu.memref_slice %arg2[%add3A_18, %dma_start3A_29] : memref<10000x10000xf32, #tpu.memory_space<hbm>> -> memref<4x10000xf32, #tpu.memory_space<hbm>>
    tpu.enqueue_dma source(%dma_start3A_30 : memref<4x10000xf32, #tpu.memory_space<hbm>>) target(%dma_start3A_28 : memref<4x10000xf32, #tpu.memory_space<vmem>>) target_semaphore(%arg8 : memref<!tpu.dma_semaphore, #tpu.memory_space<semaphore_mem>>)
    %while3A = arith.constant 0 : i32
    %while3A_31 = arith.constant 0 : i32
    %while3A_32 = arith.subi %add3A_4, %while3A_31 : i32
    %while3A_33 = arith.addi %while3A_31, %while3A_32 : i32
    %while3A_34 = arith.constant 1 : i32
    %while3A_35 = arith.divsi %while3A_32, %while3A_34 : i32
    %while3A_36 = arith.muli %while3A_35, %while3A_34 : i32
    %while3A_37 = arith.addi %while3A_31, %while3A_36 : i32
    %while3A_38 = arith.constant 1 : i32
    scf.for %while3A_47 = %while3A_31 to %while3A_37 step %while3A_38  : i32 {
      %mul3A_48 = arith.constant 4 : i32
      %mul3A_49 = arith.muli %while3A_47, %mul3A_48 : i32
      %add3A_50 = arith.constant 0 : i32
      %add3A_51 = arith.addi %mul3A_49, %add3A_50 : i32
      %mul3A_52 = arith.constant 4 : i32
      %mul3A_53 = arith.muli %add3A_51, %mul3A_52 : i32
      %add3A_54 = arith.addi %add3A_12, %mul3A_53 : i32
      %dma_wait3A = arith.constant 0 : i32
      %dma_wait3A_55 = arith.constant 0 : i32
      %dma_wait3A_56 = arith.constant 0 : i32
      %dma_wait3A_57 = tpu.memref_slice %arg6[%dma_wait3A, %dma_wait3A_55, %dma_wait3A_56] : memref<2x4x10000xf32, #tpu.memory_space<vmem>> -> memref<1x4x10000xf32, #tpu.memory_space<vmem>>
      %dma_wait3A_58 = tpu.memref_squeeze %dma_wait3A_57 : memref<1x4x10000xf32, #tpu.memory_space<vmem>> -> memref<4x10000xf32, #tpu.memory_space<vmem>>
      %dma_wait3A_59 = arith.constant 0 : i32
      %dma_wait3A_60 = tpu.memref_slice %arg2[%add3A_54, %dma_wait3A_59] : memref<10000x10000xf32, #tpu.memory_space<hbm>> -> memref<4x10000xf32, #tpu.memory_space<hbm>>
      %dma_wait3A_61 = arith.constant 0 : i32
      %dma_wait3A_62 = arith.constant 0 : i32
      %dma_wait3A_63 = tpu.memref_slice %arg6[%dma_wait3A, %dma_wait3A_61, %dma_wait3A_62] : memref<2x4x10000xf32, #tpu.memory_space<vmem>> -> memref<1x4x10000xf32, #tpu.memory_space<vmem>>
      %dma_wait3A_64 = tpu.memref_squeeze %dma_wait3A_63 : memref<1x4x10000xf32, #tpu.memory_space<vmem>> -> memref<4x10000xf32, #tpu.memory_space<vmem>>
      %dma_wait3A_65 = arith.constant 0 : i32
      %dma_wait3A_66 = tpu.memref_slice %arg2[%add3A_54, %dma_wait3A_65] : memref<10000x10000xf32, #tpu.memory_space<hbm>> -> memref<4x10000xf32, #tpu.memory_space<hbm>>
      tpu.wait_dma2 semaphore(%arg8 : memref<!tpu.dma_semaphore, #tpu.memory_space<semaphore_mem>>) src(%dma_wait3A_66 : memref<4x10000xf32, #tpu.memory_space<hbm>>) dst(%dma_wait3A_64 : memref<4x10000xf32, #tpu.memory_space<vmem>>)
      %add3A_67 = arith.constant 1 : i32
      %add3A_68 = arith.addi %add3A_51, %add3A_67 : i32
      %lt3A_69 = arith.cmpi slt, %add3A_68, %mul3A_16 : i32
      %convert_element_type3A_70 = arith.extui %lt3A_69 : i1 to i32
      %cond3A_71 = arith.constant 0 : i32
      %cond3A_72 = arith.cmpi ne, %convert_element_type3A_70, %cond3A_71 : i32
      scf.if %cond3A_72 {
        %add3A_320 = arith.constant 1 : i32
        %add3A_321 = arith.addi %add3A_51, %add3A_320 : i32
        %mul3A_322 = arith.constant 4 : i32
        %mul3A_323 = arith.muli %add3A_321, %mul3A_322 : i32
        %add3A_324 = arith.addi %add3A_12, %mul3A_323 : i32
        %dma_start3A_325 = arith.constant 1 : i32
        %dma_start3A_326 = arith.constant 0 : i32
        %dma_start3A_327 = arith.constant 0 : i32
        %dma_start3A_328 = tpu.memref_slice %arg6[%dma_start3A_325, %dma_start3A_326, %dma_start3A_327] : memref<2x4x10000xf32, #tpu.memory_space<vmem>> -> memref<1x4x10000xf32, #tpu.memory_space<vmem>>
        %dma_start3A_329 = tpu.memref_squeeze %dma_start3A_328 : memref<1x4x10000xf32, #tpu.memory_space<vmem>> -> memref<4x10000xf32, #tpu.memory_space<vmem>>
        %dma_start3A_330 = arith.constant 0 : i32
        %dma_start3A_331 = tpu.memref_slice %arg2[%add3A_324, %dma_start3A_330] : memref<10000x10000xf32, #tpu.memory_space<hbm>> -> memref<4x10000xf32, #tpu.memory_space<hbm>>
        %dma_start3A_332 = arith.constant 0 : i32
        %dma_start3A_333 = arith.constant 0 : i32
        %dma_start3A_334 = tpu.memref_slice %arg6[%dma_start3A_325, %dma_start3A_332, %dma_start3A_333] : memref<2x4x10000xf32, #tpu.memory_space<vmem>> -> memref<1x4x10000xf32, #tpu.memory_space<vmem>>
        %dma_start3A_335 = tpu.memref_squeeze %dma_start3A_334 : memref<1x4x10000xf32, #tpu.memory_space<vmem>> -> memref<4x10000xf32, #tpu.memory_space<vmem>>
        %dma_start3A_336 = arith.constant 0 : i32
        %dma_start3A_337 = tpu.memref_slice %arg2[%add3A_324, %dma_start3A_336] : memref<10000x10000xf32, #tpu.memory_space<hbm>> -> memref<4x10000xf32, #tpu.memory_space<hbm>>
        tpu.enqueue_dma source(%dma_start3A_337 : memref<4x10000xf32, #tpu.memory_space<hbm>>) target(%dma_start3A_335 : memref<4x10000xf32, #tpu.memory_space<vmem>>) target_semaphore(%arg9 : memref<!tpu.dma_semaphore, #tpu.memory_space<semaphore_mem>>)
      } else {
      }
      %broadcast_in_dim3A = arith.constant 0.000000e+00 : f32
      %broadcast_in_dim3A_73 = vector.broadcast %broadcast_in_dim3A : f32 to vector<16xf32>
      %parallel_loop3A = arith.constant 0 : i32
      %parallel_loop3A_74 = arith.constant 625 : i32
      %parallel_loop3A_75 = arith.constant 1 : i32
      %parallel_loop3A_76:4 = scf.for %parallel_loop3A_320 = %parallel_loop3A to %parallel_loop3A_74 step %parallel_loop3A_75 iter_args(%parallel_loop3A_321 = %broadcast_in_dim3A_73, %parallel_loop3A_322 = %broadcast_in_dim3A_73, %parallel_loop3A_323 = %broadcast_in_dim3A_73, %parallel_loop3A_324 = %broadcast_in_dim3A_73) -> (vector<16xf32>, vector<16xf32>, vector<16xf32>, vector<16xf32>)  : i32 {
        %parallel_loop3A_325 = arith.constant 16 : i32
        %parallel_loop3A_326 = arith.muli %parallel_loop3A_320, %parallel_loop3A_325 : i32
        %parallel_loop3A_327 = arith.index_cast %parallel_loop3A_326 : i32 to index
        %parallel_loop3A_328 = tpu.vector_load %arg5[%parallel_loop3A_327] {strides = array<i32>} : memref<10000xf32, #tpu.memory_space<vmem>>, vector<16xf32>,
        %parallel_loop3A_329 = arith.constant 0 : i32
        %parallel_loop3A_330 = arith.constant 0 : i32
        %parallel_loop3A_331 = arith.index_cast %parallel_loop3A_329 : i32 to index
        %parallel_loop3A_332 = arith.index_cast %parallel_loop3A_330 : i32 to index
        %parallel_loop3A_333 = arith.index_cast %parallel_loop3A_326 : i32 to index
        %parallel_loop3A_334 = tpu.vector_load %arg6[%parallel_loop3A_331, %parallel_loop3A_332, %parallel_loop3A_333] {strides = array<i32>} : memref<2x4x10000xf32, #tpu.memory_space<vmem>>, vector<16xf32>,
        %parallel_loop3A_335 = arith.mulf %parallel_loop3A_334, %parallel_loop3A_328 : vector<16xf32>
        %parallel_loop3A_336 = arith.addf %parallel_loop3A_321, %parallel_loop3A_335 : vector<16xf32>
        %parallel_loop3A_337 = arith.constant 0 : i32
        %parallel_loop3A_338 = arith.constant 1 : i32
        %parallel_loop3A_339 = arith.index_cast %parallel_loop3A_337 : i32 to index
        %parallel_loop3A_340 = arith.index_cast %parallel_loop3A_338 : i32 to index
        %parallel_loop3A_341 = arith.index_cast %parallel_loop3A_326 : i32 to index
        %parallel_loop3A_342 = tpu.vector_load %arg6[%parallel_loop3A_339, %parallel_loop3A_340, %parallel_loop3A_341] {strides = array<i32>} : memref<2x4x10000xf32, #tpu.memory_space<vmem>>, vector<16xf32>,
        %parallel_loop3A_343 = arith.mulf %parallel_loop3A_342, %parallel_loop3A_328 : vector<16xf32>
        %parallel_loop3A_344 = arith.addf %parallel_loop3A_322, %parallel_loop3A_343 : vector<16xf32>
        %parallel_loop3A_345 = arith.constant 0 : i32
        %parallel_loop3A_346 = arith.constant 2 : i32
        %parallel_loop3A_347 = arith.index_cast %parallel_loop3A_345 : i32 to index
        %parallel_loop3A_348 = arith.index_cast %parallel_loop3A_346 : i32 to index
        %parallel_loop3A_349 = arith.index_cast %parallel_loop3A_326 : i32 to index
        %parallel_loop3A_350 = tpu.vector_load %arg6[%parallel_loop3A_347, %parallel_loop3A_348, %parallel_loop3A_349] {strides = array<i32>} : memref<2x4x10000xf32, #tpu.memory_space<vmem>>, vector<16xf32>,
        %parallel_loop3A_351 = arith.mulf %parallel_loop3A_350, %parallel_loop3A_328 : vector<16xf32>
        %parallel_loop3A_352 = arith.addf %parallel_loop3A_323, %parallel_loop3A_351 : vector<16xf32>
        %parallel_loop3A_353 = arith.constant 0 : i32
        %parallel_loop3A_354 = arith.constant 3 : i32
        %parallel_loop3A_355 = arith.index_cast %parallel_loop3A_353 : i32 to index
        %parallel_loop3A_356 = arith.index_cast %parallel_loop3A_354 : i32 to index
        %parallel_loop3A_357 = arith.index_cast %parallel_loop3A_326 : i32 to index
        %parallel_loop3A_358 = tpu.vector_load %arg6[%parallel_loop3A_355, %parallel_loop3A_356, %parallel_loop3A_357] {strides = array<i32>} : memref<2x4x10000xf32, #tpu.memory_space<vmem>>, vector<16xf32>,
        %parallel_loop3A_359 = arith.mulf %parallel_loop3A_358, %parallel_loop3A_328 : vector<16xf32>
        %parallel_loop3A_360 = arith.addf %parallel_loop3A_324, %parallel_loop3A_359 : vector<16xf32>
        scf.yield %parallel_loop3A_336, %parallel_loop3A_344, %parallel_loop3A_352, %parallel_loop3A_360 : vector<16xf32>, vector<16xf32>, vector<16xf32>, vector<16xf32>
      } {sc.loop_unroll_factor = 8 : i64, sc.parallel_access}
      %mul3A_77 = arith.constant 4 : i32
      %mul3A_78 = arith.muli %while3A_47, %mul3A_77 : i32
      %add3A_79 = arith.constant 1 : i32
      %add3A_80 = arith.addi %mul3A_78, %add3A_79 : i32
      %mul3A_81 = arith.constant 4 : i32
      %mul3A_82 = arith.muli %add3A_80, %mul3A_81 : i32
      %add3A_83 = arith.addi %add3A_12, %mul3A_82 : i32
      %dma_wait3A_84 = arith.constant 1 : i32
      %dma_wait3A_85 = arith.constant 0 : i32
      %dma_wait3A_86 = arith.constant 0 : i32
      %dma_wait3A_87 = tpu.memref_slice %arg6[%dma_wait3A_84, %dma_wait3A_85, %dma_wait3A_86] : memref<2x4x10000xf32, #tpu.memory_space<vmem>> -> memref<1x4x10000xf32, #tpu.memory_space<vmem>>
      %dma_wait3A_88 = tpu.memref_squeeze %dma_wait3A_87 : memref<1x4x10000xf32, #tpu.memory_space<vmem>> -> memref<4x10000xf32, #tpu.memory_space<vmem>>
      %dma_wait3A_89 = arith.constant 0 : i32
      %dma_wait3A_90 = tpu.memref_slice %arg2[%add3A_83, %dma_wait3A_89] : memref<10000x10000xf32, #tpu.memory_space<hbm>> -> memref<4x10000xf32, #tpu.memory_space<hbm>>
      %dma_wait3A_91 = arith.constant 0 : i32
      %dma_wait3A_92 = arith.constant 0 : i32
      %dma_wait3A_93 = tpu.memref_slice %arg6[%dma_wait3A_84, %dma_wait3A_91, %dma_wait3A_92] : memref<2x4x10000xf32, #tpu.memory_space<vmem>> -> memref<1x4x10000xf32, #tpu.memory_space<vmem>>
      %dma_wait3A_94 = tpu.memref_squeeze %dma_wait3A_93 : memref<1x4x10000xf32, #tpu.memory_space<vmem>> -> memref<4x10000xf32, #tpu.memory_space<vmem>>
      %dma_wait3A_95 = arith.constant 0 : i32
      %dma_wait3A_96 = tpu.memref_slice %arg2[%add3A_83, %dma_wait3A_95] : memref<10000x10000xf32, #tpu.memory_space<hbm>> -> memref<4x10000xf32, #tpu.memory_space<hbm>>
      tpu.wait_dma2 semaphore(%arg9 : memref<!tpu.dma_semaphore, #tpu.memory_space<semaphore_mem>>) src(%dma_wait3A_96 : memref<4x10000xf32, #tpu.memory_space<hbm>>) dst(%dma_wait3A_94 : memref<4x10000xf32, #tpu.memory_space<vmem>>)
      %add3A_97 = arith.constant 1 : i32
      %add3A_98 = arith.addi %add3A_80, %add3A_97 : i32
      %lt3A_99 = arith.cmpi slt, %add3A_98, %mul3A_16 : i32
      %convert_element_type3A_100 = arith.extui %lt3A_99 : i1 to i32
      %cond3A_101 = arith.constant 0 : i32
      %cond3A_102 = arith.cmpi ne, %convert_element_type3A_100, %cond3A_101 : i32
      scf.if %cond3A_102 {
        %add3A_320 = arith.constant 1 : i32
        %add3A_321 = arith.addi %add3A_80, %add3A_320 : i32
        %mul3A_322 = arith.constant 4 : i32
        %mul3A_323 = arith.muli %add3A_321, %mul3A_322 : i32
        %add3A_324 = arith.addi %add3A_12, %mul3A_323 : i32
        %dma_start3A_325 = arith.constant 0 : i32
        %dma_start3A_326 = arith.constant 0 : i32
        %dma_start3A_327 = arith.constant 0 : i32
        %dma_start3A_328 = tpu.memref_slice %arg6[%dma_start3A_325, %dma_start3A_326, %dma_start3A_327] : memref<2x4x10000xf32, #tpu.memory_space<vmem>> -> memref<1x4x10000xf32, #tpu.memory_space<vmem>>
        %dma_start3A_329 = tpu.memref_squeeze %dma_start3A_328 : memref<1x4x10000xf32, #tpu.memory_space<vmem>> -> memref<4x10000xf32, #tpu.memory_space<vmem>>
        %dma_start3A_330 = arith.constant 0 : i32
        %dma_start3A_331 = tpu.memref_slice %arg2[%add3A_324, %dma_start3A_330] : memref<10000x10000xf32, #tpu.memory_space<hbm>> -> memref<4x10000xf32, #tpu.memory_space<hbm>>
        %dma_start3A_332 = arith.constant 0 : i32
        %dma_start3A_333 = arith.constant 0 : i32
        %dma_start3A_334 = tpu.memref_slice %arg6[%dma_start3A_325, %dma_start3A_332, %dma_start3A_333] : memref<2x4x10000xf32, #tpu.memory_space<vmem>> -> memref<1x4x10000xf32, #tpu.memory_space<vmem>>
        %dma_start3A_335 = tpu.memref_squeeze %dma_start3A_334 : memref<1x4x10000xf32, #tpu.memory_space<vmem>> -> memref<4x10000xf32, #tpu.memory_space<vmem>>
        %dma_start3A_336 = arith.constant 0 : i32
        %dma_start3A_337 = tpu.memref_slice %arg2[%add3A_324, %dma_start3A_336] : memref<10000x10000xf32, #tpu.memory_space<hbm>> -> memref<4x10000xf32, #tpu.memory_space<hbm>>
        tpu.enqueue_dma source(%dma_start3A_337 : memref<4x10000xf32, #tpu.memory_space<hbm>>) target(%dma_start3A_335 : memref<4x10000xf32, #tpu.memory_space<vmem>>) target_semaphore(%arg8 : memref<!tpu.dma_semaphore, #tpu.memory_space<semaphore_mem>>)
      } else {
      }
      %broadcast_in_dim3A_103 = arith.constant 0.000000e+00 : f32
      %broadcast_in_dim3A_104 = vector.broadcast %broadcast_in_dim3A_103 : f32 to vector<16xf32>
      %parallel_loop3A_105 = arith.constant 0 : i32
      %parallel_loop3A_106 = arith.constant 625 : i32
      %parallel_loop3A_107 = arith.constant 1 : i32
      %parallel_loop3A_108:4 = scf.for %parallel_loop3A_320 = %parallel_loop3A_105 to %parallel_loop3A_106 step %parallel_loop3A_107 iter_args(%parallel_loop3A_321 = %broadcast_in_dim3A_104, %parallel_loop3A_322 = %broadcast_in_dim3A_104, %parallel_loop3A_323 = %broadcast_in_dim3A_104, %parallel_loop3A_324 = %broadcast_in_dim3A_104) -> (vector<16xf32>, vector<16xf32>, vector<16xf32>, vector<16xf32>)  : i32 {
        %parallel_loop3A_325 = arith.constant 16 : i32
        %parallel_loop3A_326 = arith.muli %parallel_loop3A_320, %parallel_loop3A_325 : i32
        %parallel_loop3A_327 = arith.index_cast %parallel_loop3A_326 : i32 to index
        %parallel_loop3A_328 = tpu.vector_load %arg5[%parallel_loop3A_327] {strides = array<i32>} : memref<10000xf32, #tpu.memory_space<vmem>>, vector<16xf32>,
        %parallel_loop3A_329 = arith.constant 1 : i32
        %parallel_loop3A_330 = arith.constant 0 : i32
        %parallel_loop3A_331 = arith.index_cast %parallel_loop3A_329 : i32 to index
        %parallel_loop3A_332 = arith.index_cast %parallel_loop3A_330 : i32 to index
        %parallel_loop3A_333 = arith.index_cast %parallel_loop3A_326 : i32 to index
        %parallel_loop3A_334 = tpu.vector_load %arg6[%parallel_loop3A_331, %parallel_loop3A_332, %parallel_loop3A_333] {strides = array<i32>} : memref<2x4x10000xf32, #tpu.memory_space<vmem>>, vector<16xf32>,
        %parallel_loop3A_335 = arith.mulf %parallel_loop3A_334, %parallel_loop3A_328 : vector<16xf32>
        %parallel_loop3A_336 = arith.addf %parallel_loop3A_321, %parallel_loop3A_335 : vector<16xf32>
        %parallel_loop3A_337 = arith.constant 1 : i32
        %parallel_loop3A_338 = arith.constant 1 : i32
        %parallel_loop3A_339 = arith.index_cast %parallel_loop3A_337 : i32 to index
        %parallel_loop3A_340 = arith.index_cast %parallel_loop3A_338 : i32 to index
        %parallel_loop3A_341 = arith.index_cast %parallel_loop3A_326 : i32 to index
        %parallel_loop3A_342 = tpu.vector_load %arg6[%parallel_loop3A_339, %parallel_loop3A_340, %parallel_loop3A_341] {strides = array<i32>} : memref<2x4x10000xf32, #tpu.memory_space<vmem>>, vector<16xf32>,
        %parallel_loop3A_343 = arith.mulf %parallel_loop3A_342, %parallel_loop3A_328 : vector<16xf32>
        %parallel_loop3A_344 = arith.addf %parallel_loop3A_322, %parallel_loop3A_343 : vector<16xf32>
        %parallel_loop3A_345 = arith.constant 1 : i32
        %parallel_loop3A_346 = arith.constant 2 : i32
        %parallel_loop3A_347 = arith.index_cast %parallel_loop3A_345 : i32 to index
        %parallel_loop3A_348 = arith.index_cast %parallel_loop3A_346 : i32 to index
        %parallel_loop3A_349 = arith.index_cast %parallel_loop3A_326 : i32 to index
        %parallel_loop3A_350 = tpu.vector_load %arg6[%parallel_loop3A_347, %parallel_loop3A_348, %parallel_loop3A_349] {strides = array<i32>} : memref<2x4x10000xf32, #tpu.memory_space<vmem>>, vector<16xf32>,
        %parallel_loop3A_351 = arith.mulf %parallel_loop3A_350, %parallel_loop3A_328 : vector<16xf32>
        %parallel_loop3A_352 = arith.addf %parallel_loop3A_323, %parallel_loop3A_351 : vector<16xf32>
        %parallel_loop3A_353 = arith.constant 1 : i32
        %parallel_loop3A_354 = arith.constant 3 : i32
        %parallel_loop3A_355 = arith.index_cast %parallel_loop3A_353 : i32 to index
        %parallel_loop3A_356 = arith.index_cast %parallel_loop3A_354 : i32 to index
        %parallel_loop3A_357 = arith.index_cast %parallel_loop3A_326 : i32 to index
        %parallel_loop3A_358 = tpu.vector_load %arg6[%parallel_loop3A_355, %parallel_loop3A_356, %parallel_loop3A_357] {strides = array<i32>} : memref<2x4x10000xf32, #tpu.memory_space<vmem>>, vector<16xf32>,
        %parallel_loop3A_359 = arith.mulf %parallel_loop3A_358, %parallel_loop3A_328 : vector<16xf32>
        %parallel_loop3A_360 = arith.addf %parallel_loop3A_324, %parallel_loop3A_359 : vector<16xf32>
        scf.yield %parallel_loop3A_336, %parallel_loop3A_344, %parallel_loop3A_352, %parallel_loop3A_360 : vector<16xf32>, vector<16xf32>, vector<16xf32>, vector<16xf32>
      } {sc.loop_unroll_factor = 8 : i64, sc.parallel_access}
      %mul3A_109 = arith.constant 4 : i32
      %mul3A_110 = arith.muli %while3A_47, %mul3A_109 : i32
      %add3A_111 = arith.constant 2 : i32
      %add3A_112 = arith.addi %mul3A_110, %add3A_111 : i32
      %mul3A_113 = arith.constant 4 : i32
      %mul3A_114 = arith.muli %add3A_112, %mul3A_113 : i32
      %add3A_115 = arith.addi %add3A_12, %mul3A_114 : i32
      %dma_wait3A_116 = arith.constant 0 : i32
      %dma_wait3A_117 = arith.constant 0 : i32
      %dma_wait3A_118 = arith.constant 0 : i32
      %dma_wait3A_119 = tpu.memref_slice %arg6[%dma_wait3A_116, %dma_wait3A_117, %dma_wait3A_118] : memref<2x4x10000xf32, #tpu.memory_space<vmem>> -> memref<1x4x10000xf32, #tpu.memory_space<vmem>>
      %dma_wait3A_120 = tpu.memref_squeeze %dma_wait3A_119 : memref<1x4x10000xf32, #tpu.memory_space<vmem>> -> memref<4x10000xf32, #tpu.memory_space<vmem>>
      %dma_wait3A_121 = arith.constant 0 : i32
      %dma_wait3A_122 = tpu.memref_slice %arg2[%add3A_115, %dma_wait3A_121] : memref<10000x10000xf32, #tpu.memory_space<hbm>> -> memref<4x10000xf32, #tpu.memory_space<hbm>>
      %dma_wait3A_123 = arith.constant 0 : i32
      %dma_wait3A_124 = arith.constant 0 : i32
      %dma_wait3A_125 = tpu.memref_slice %arg6[%dma_wait3A_116, %dma_wait3A_123, %dma_wait3A_124] : memref<2x4x10000xf32, #tpu.memory_space<vmem>> -> memref<1x4x10000xf32, #tpu.memory_space<vmem>>
      %dma_wait3A_126 = tpu.memref_squeeze %dma_wait3A_125 : memref<1x4x10000xf32, #tpu.memory_space<vmem>> -> memref<4x10000xf32, #tpu.memory_space<vmem>>
      %dma_wait3A_127 = arith.constant 0 : i32
      %dma_wait3A_128 = tpu.memref_slice %arg2[%add3A_115, %dma_wait3A_127] : memref<10000x10000xf32, #tpu.memory_space<hbm>> -> memref<4x10000xf32, #tpu.memory_space<hbm>>
      tpu.wait_dma2 semaphore(%arg8 : memref<!tpu.dma_semaphore, #tpu.memory_space<semaphore_mem>>) src(%dma_wait3A_128 : memref<4x10000xf32, #tpu.memory_space<hbm>>) dst(%dma_wait3A_126 : memref<4x10000xf32, #tpu.memory_space<vmem>>)
      %add3A_129 = arith.constant 1 : i32
      %add3A_130 = arith.addi %add3A_112, %add3A_129 : i32
      %lt3A_131 = arith.cmpi slt, %add3A_130, %mul3A_16 : i32
      %convert_element_type3A_132 = arith.extui %lt3A_131 : i1 to i32
      %cond3A_133 = arith.constant 0 : i32
      %cond3A_134 = arith.cmpi ne, %convert_element_type3A_132, %cond3A_133 : i32
      scf.if %cond3A_134 {
        %add3A_320 = arith.constant 1 : i32
        %add3A_321 = arith.addi %add3A_112, %add3A_320 : i32
        %mul3A_322 = arith.constant 4 : i32
        %mul3A_323 = arith.muli %add3A_321, %mul3A_322 : i32
        %add3A_324 = arith.addi %add3A_12, %mul3A_323 : i32
        %dma_start3A_325 = arith.constant 1 : i32
        %dma_start3A_326 = arith.constant 0 : i32
        %dma_start3A_327 = arith.constant 0 : i32
        %dma_start3A_328 = tpu.memref_slice %arg6[%dma_start3A_325, %dma_start3A_326, %dma_start3A_327] : memref<2x4x10000xf32, #tpu.memory_space<vmem>> -> memref<1x4x10000xf32, #tpu.memory_space<vmem>>
        %dma_start3A_329 = tpu.memref_squeeze %dma_start3A_328 : memref<1x4x10000xf32, #tpu.memory_space<vmem>> -> memref<4x10000xf32, #tpu.memory_space<vmem>>
        %dma_start3A_330 = arith.constant 0 : i32
        %dma_start3A_331 = tpu.memref_slice %arg2[%add3A_324, %dma_start3A_330] : memref<10000x10000xf32, #tpu.memory_space<hbm>> -> memref<4x10000xf32, #tpu.memory_space<hbm>>
        %dma_start3A_332 = arith.constant 0 : i32
        %dma_start3A_333 = arith.constant 0 : i32
        %dma_start3A_334 = tpu.memref_slice %arg6[%dma_start3A_325, %dma_start3A_332, %dma_start3A_333] : memref<2x4x10000xf32, #tpu.memory_space<vmem>> -> memref<1x4x10000xf32, #tpu.memory_space<vmem>>
        %dma_start3A_335 = tpu.memref_squeeze %dma_start3A_334 : memref<1x4x10000xf32, #tpu.memory_space<vmem>> -> memref<4x10000xf32, #tpu.memory_space<vmem>>
        %dma_start3A_336 = arith.constant 0 : i32
        %dma_start3A_337 = tpu.memref_slice %arg2[%add3A_324, %dma_start3A_336] : memref<10000x10000xf32, #tpu.memory_space<hbm>> -> memref<4x10000xf32, #tpu.memory_space<hbm>>
        tpu.enqueue_dma source(%dma_start3A_337 : memref<4x10000xf32, #tpu.memory_space<hbm>>) target(%dma_start3A_335 : memref<4x10000xf32, #tpu.memory_space<vmem>>) target_semaphore(%arg9 : memref<!tpu.dma_semaphore, #tpu.memory_space<semaphore_mem>>)
      } else {
      }
      %broadcast_in_dim3A_135 = arith.constant 0.000000e+00 : f32
      %broadcast_in_dim3A_136 = vector.broadcast %broadcast_in_dim3A_135 : f32 to vector<16xf32>
      %parallel_loop3A_137 = arith.constant 0 : i32
      %parallel_loop3A_138 = arith.constant 625 : i32
      %parallel_loop3A_139 = arith.constant 1 : i32
      %parallel_loop3A_140:4 = scf.for %parallel_loop3A_320 = %parallel_loop3A_137 to %parallel_loop3A_138 step %parallel_loop3A_139 iter_args(%parallel_loop3A_321 = %broadcast_in_dim3A_136, %parallel_loop3A_322 = %broadcast_in_dim3A_136, %parallel_loop3A_323 = %broadcast_in_dim3A_136, %parallel_loop3A_324 = %broadcast_in_dim3A_136) -> (vector<16xf32>, vector<16xf32>, vector<16xf32>, vector<16xf32>)  : i32 {
        %parallel_loop3A_325 = arith.constant 16 : i32
        %parallel_loop3A_326 = arith.muli %parallel_loop3A_320, %parallel_loop3A_325 : i32
        %parallel_loop3A_327 = arith.index_cast %parallel_loop3A_326 : i32 to index
        %parallel_loop3A_328 = tpu.vector_load %arg5[%parallel_loop3A_327] {strides = array<i32>} : memref<10000xf32, #tpu.memory_space<vmem>>, vector<16xf32>,
        %parallel_loop3A_329 = arith.constant 0 : i32
        %parallel_loop3A_330 = arith.constant 0 : i32
        %parallel_loop3A_331 = arith.index_cast %parallel_loop3A_329 : i32 to index
        %parallel_loop3A_332 = arith.index_cast %parallel_loop3A_330 : i32 to index
        %parallel_loop3A_333 = arith.index_cast %parallel_loop3A_326 : i32 to index
        %parallel_loop3A_334 = tpu.vector_load %arg6[%parallel_loop3A_331, %parallel_loop3A_332, %parallel_loop3A_333] {strides = array<i32>} : memref<2x4x10000xf32, #tpu.memory_space<vmem>>, vector<16xf32>,
        %parallel_loop3A_335 = arith.mulf %parallel_loop3A_334, %parallel_loop3A_328 : vector<16xf32>
        %parallel_loop3A_336 = arith.addf %parallel_loop3A_321, %parallel_loop3A_335 : vector<16xf32>
        %parallel_loop3A_337 = arith.constant 0 : i32
        %parallel_loop3A_338 = arith.constant 1 : i32
        %parallel_loop3A_339 = arith.index_cast %parallel_loop3A_337 : i32 to index
        %parallel_loop3A_340 = arith.index_cast %parallel_loop3A_338 : i32 to index
        %parallel_loop3A_341 = arith.index_cast %parallel_loop3A_326 : i32 to index
        %parallel_loop3A_342 = tpu.vector_load %arg6[%parallel_loop3A_339, %parallel_loop3A_340, %parallel_loop3A_341] {strides = array<i32>} : memref<2x4x10000xf32, #tpu.memory_space<vmem>>, vector<16xf32>,
        %parallel_loop3A_343 = arith.mulf %parallel_loop3A_342, %parallel_loop3A_328 : vector<16xf32>
        %parallel_loop3A_344 = arith.addf %parallel_loop3A_322, %parallel_loop3A_343 : vector<16xf32>
        %parallel_loop3A_345 = arith.constant 0 : i32
        %parallel_loop3A_346 = arith.constant 2 : i32
        %parallel_loop3A_347 = arith.index_cast %parallel_loop3A_345 : i32 to index
        %parallel_loop3A_348 = arith.index_cast %parallel_loop3A_346 : i32 to index
        %parallel_loop3A_349 = arith.index_cast %parallel_loop3A_326 : i32 to index
        %parallel_loop3A_350 = tpu.vector_load %arg6[%parallel_loop3A_347, %parallel_loop3A_348, %parallel_loop3A_349] {strides = array<i32>} : memref<2x4x10000xf32, #tpu.memory_space<vmem>>, vector<16xf32>,
        %parallel_loop3A_351 = arith.mulf %parallel_loop3A_350, %parallel_loop3A_328 : vector<16xf32>
        %parallel_loop3A_352 = arith.addf %parallel_loop3A_323, %parallel_loop3A_351 : vector<16xf32>
        %parallel_loop3A_353 = arith.constant 0 : i32
        %parallel_loop3A_354 = arith.constant 3 : i32
        %parallel_loop3A_355 = arith.index_cast %parallel_loop3A_353 : i32 to index
        %parallel_loop3A_356 = arith.index_cast %parallel_loop3A_354 : i32 to index
        %parallel_loop3A_357 = arith.index_cast %parallel_loop3A_326 : i32 to index
        %parallel_loop3A_358 = tpu.vector_load %arg6[%parallel_loop3A_355, %parallel_loop3A_356, %parallel_loop3A_357] {strides = array<i32>} : memref<2x4x10000xf32, #tpu.memory_space<vmem>>, vector<16xf32>,
        %parallel_loop3A_359 = arith.mulf %parallel_loop3A_358, %parallel_loop3A_328 : vector<16xf32>
        %parallel_loop3A_360 = arith.addf %parallel_loop3A_324, %parallel_loop3A_359 : vector<16xf32>
        scf.yield %parallel_loop3A_336, %parallel_loop3A_344, %parallel_loop3A_352, %parallel_loop3A_360 : vector<16xf32>, vector<16xf32>, vector<16xf32>, vector<16xf32>
      } {sc.loop_unroll_factor = 8 : i64, sc.parallel_access}
      %mul3A_141 = arith.constant 4 : i32
      %mul3A_142 = arith.muli %while3A_47, %mul3A_141 : i32
      %add3A_143 = arith.constant 3 : i32
      %add3A_144 = arith.addi %mul3A_142, %add3A_143 : i32
      %mul3A_145 = arith.constant 4 : i32
      %mul3A_146 = arith.muli %add3A_144, %mul3A_145 : i32
      %add3A_147 = arith.addi %add3A_12, %mul3A_146 : i32
      %dma_wait3A_148 = arith.constant 1 : i32
      %dma_wait3A_149 = arith.constant 0 : i32
      %dma_wait3A_150 = arith.constant 0 : i32
      %dma_wait3A_151 = tpu.memref_slice %arg6[%dma_wait3A_148, %dma_wait3A_149, %dma_wait3A_150] : memref<2x4x10000xf32, #tpu.memory_space<vmem>> -> memref<1x4x10000xf32, #tpu.memory_space<vmem>>
      %dma_wait3A_152 = tpu.memref_squeeze %dma_wait3A_151 : memref<1x4x10000xf32, #tpu.memory_space<vmem>> -> memref<4x10000xf32, #tpu.memory_space<vmem>>
      %dma_wait3A_153 = arith.constant 0 : i32
      %dma_wait3A_154 = tpu.memref_slice %arg2[%add3A_147, %dma_wait3A_153] : memref<10000x10000xf32, #tpu.memory_space<hbm>> -> memref<4x10000xf32, #tpu.memory_space<hbm>>
      %dma_wait3A_155 = arith.constant 0 : i32
      %dma_wait3A_156 = arith.constant 0 : i32
      %dma_wait3A_157 = tpu.memref_slice %arg6[%dma_wait3A_148, %dma_wait3A_155, %dma_wait3A_156] : memref<2x4x10000xf32, #tpu.memory_space<vmem>> -> memref<1x4x10000xf32, #tpu.memory_space<vmem>>
      %dma_wait3A_158 = tpu.memref_squeeze %dma_wait3A_157 : memref<1x4x10000xf32, #tpu.memory_space<vmem>> -> memref<4x10000xf32, #tpu.memory_space<vmem>>
      %dma_wait3A_159 = arith.constant 0 : i32
      %dma_wait3A_160 = tpu.memref_slice %arg2[%add3A_147, %dma_wait3A_159] : memref<10000x10000xf32, #tpu.memory_space<hbm>> -> memref<4x10000xf32, #tpu.memory_space<hbm>>
      tpu.wait_dma2 semaphore(%arg9 : memref<!tpu.dma_semaphore, #tpu.memory_space<semaphore_mem>>) src(%dma_wait3A_160 : memref<4x10000xf32, #tpu.memory_space<hbm>>) dst(%dma_wait3A_158 : memref<4x10000xf32, #tpu.memory_space<vmem>>)
      %add3A_161 = arith.constant 1 : i32
      %add3A_162 = arith.addi %add3A_144, %add3A_161 : i32
      %lt3A_163 = arith.cmpi slt, %add3A_162, %mul3A_16 : i32
      %convert_element_type3A_164 = arith.extui %lt3A_163 : i1 to i32
      %cond3A_165 = arith.constant 0 : i32
      %cond3A_166 = arith.cmpi ne, %convert_element_type3A_164, %cond3A_165 : i32
      scf.if %cond3A_166 {
        %add3A_320 = arith.constant 1 : i32
        %add3A_321 = arith.addi %add3A_144, %add3A_320 : i32
        %mul3A_322 = arith.constant 4 : i32
        %mul3A_323 = arith.muli %add3A_321, %mul3A_322 : i32
        %add3A_324 = arith.addi %add3A_12, %mul3A_323 : i32
        %dma_start3A_325 = arith.constant 0 : i32
        %dma_start3A_326 = arith.constant 0 : i32
        %dma_start3A_327 = arith.constant 0 : i32
        %dma_start3A_328 = tpu.memref_slice %arg6[%dma_start3A_325, %dma_start3A_326, %dma_start3A_327] : memref<2x4x10000xf32, #tpu.memory_space<vmem>> -> memref<1x4x10000xf32, #tpu.memory_space<vmem>>
        %dma_start3A_329 = tpu.memref_squeeze %dma_start3A_328 : memref<1x4x10000xf32, #tpu.memory_space<vmem>> -> memref<4x10000xf32, #tpu.memory_space<vmem>>
        %dma_start3A_330 = arith.constant 0 : i32
        %dma_start3A_331 = tpu.memref_slice %arg2[%add3A_324, %dma_start3A_330] : memref<10000x10000xf32, #tpu.memory_space<hbm>> -> memref<4x10000xf32, #tpu.memory_space<hbm>>
        %dma_start3A_332 = arith.constant 0 : i32
        %dma_start3A_333 = arith.constant 0 : i32
        %dma_start3A_334 = tpu.memref_slice %arg6[%dma_start3A_325, %dma_start3A_332, %dma_start3A_333] : memref<2x4x10000xf32, #tpu.memory_space<vmem>> -> memref<1x4x10000xf32, #tpu.memory_space<vmem>>
        %dma_start3A_335 = tpu.memref_squeeze %dma_start3A_334 : memref<1x4x10000xf32, #tpu.memory_space<vmem>> -> memref<4x10000xf32, #tpu.memory_space<vmem>>
        %dma_start3A_336 = arith.constant 0 : i32
        %dma_start3A_337 = tpu.memref_slice %arg2[%add3A_324, %dma_start3A_336] : memref<10000x10000xf32, #tpu.memory_space<hbm>> -> memref<4x10000xf32, #tpu.memory_space<hbm>>
        tpu.enqueue_dma source(%dma_start3A_337 : memref<4x10000xf32, #tpu.memory_space<hbm>>) target(%dma_start3A_335 : memref<4x10000xf32, #tpu.memory_space<vmem>>) target_semaphore(%arg8 : memref<!tpu.dma_semaphore, #tpu.memory_space<semaphore_mem>>)
      } else {
      }
      %broadcast_in_dim3A_167 = arith.constant 0.000000e+00 : f32
      %broadcast_in_dim3A_168 = vector.broadcast %broadcast_in_dim3A_167 : f32 to vector<16xf32>
      %parallel_loop3A_169 = arith.constant 0 : i32
      %parallel_loop3A_170 = arith.constant 625 : i32
      %parallel_loop3A_171 = arith.constant 1 : i32
      %parallel_loop3A_172:4 = scf.for %parallel_loop3A_320 = %parallel_loop3A_169 to %parallel_loop3A_170 step %parallel_loop3A_171 iter_args(%parallel_loop3A_321 = %broadcast_in_dim3A_168, %parallel_loop3A_322 = %broadcast_in_dim3A_168, %parallel_loop3A_323 = %broadcast_in_dim3A_168, %parallel_loop3A_324 = %broadcast_in_dim3A_168) -> (vector<16xf32>, vector<16xf32>, vector<16xf32>, vector<16xf32>)  : i32 {
        %parallel_loop3A_325 = arith.constant 16 : i32
        %parallel_loop3A_326 = arith.muli %parallel_loop3A_320, %parallel_loop3A_325 : i32
        %parallel_loop3A_327 = arith.index_cast %parallel_loop3A_326 : i32 to index
        %parallel_loop3A_328 = tpu.vector_load %arg5[%parallel_loop3A_327] {strides = array<i32>} : memref<10000xf32, #tpu.memory_space<vmem>>, vector<16xf32>,
        %parallel_loop3A_329 = arith.constant 1 : i32
        %parallel_loop3A_330 = arith.constant 0 : i32
        %parallel_loop3A_331 = arith.index_cast %parallel_loop3A_329 : i32 to index
        %parallel_loop3A_332 = arith.index_cast %parallel_loop3A_330 : i32 to index
        %parallel_loop3A_333 = arith.index_cast %parallel_loop3A_326 : i32 to index
        %parallel_loop3A_334 = tpu.vector_load %arg6[%parallel_loop3A_331, %parallel_loop3A_332, %parallel_loop3A_333] {strides = array<i32>} : memref<2x4x10000xf32, #tpu.memory_space<vmem>>, vector<16xf32>,
        %parallel_loop3A_335 = arith.mulf %parallel_loop3A_334, %parallel_loop3A_328 : vector<16xf32>
        %parallel_loop3A_336 = arith.addf %parallel_loop3A_321, %parallel_loop3A_335 : vector<16xf32>
        %parallel_loop3A_337 = arith.constant 1 : i32
        %parallel_loop3A_338 = arith.constant 1 : i32
        %parallel_loop3A_339 = arith.index_cast %parallel_loop3A_337 : i32 to index
        %parallel_loop3A_340 = arith.index_cast %parallel_loop3A_338 : i32 to index
        %parallel_loop3A_341 = arith.index_cast %parallel_loop3A_326 : i32 to index
        %parallel_loop3A_342 = tpu.vector_load %arg6[%parallel_loop3A_339, %parallel_loop3A_340, %parallel_loop3A_341] {strides = array<i32>} : memref<2x4x10000xf32, #tpu.memory_space<vmem>>, vector<16xf32>,
        %parallel_loop3A_343 = arith.mulf %parallel_loop3A_342, %parallel_loop3A_328 : vector<16xf32>
        %parallel_loop3A_344 = arith.addf %parallel_loop3A_322, %parallel_loop3A_343 : vector<16xf32>
        %parallel_loop3A_345 = arith.constant 1 : i32
        %parallel_loop3A_346 = arith.constant 2 : i32
        %parallel_loop3A_347 = arith.index_cast %parallel_loop3A_345 : i32 to index
        %parallel_loop3A_348 = arith.index_cast %parallel_loop3A_346 : i32 to index
        %parallel_loop3A_349 = arith.index_cast %parallel_loop3A_326 : i32 to index
        %parallel_loop3A_350 = tpu.vector_load %arg6[%parallel_loop3A_347, %parallel_loop3A_348, %parallel_loop3A_349] {strides = array<i32>} : memref<2x4x10000xf32, #tpu.memory_space<vmem>>, vector<16xf32>,
        %parallel_loop3A_351 = arith.mulf %parallel_loop3A_350, %parallel_loop3A_328 : vector<16xf32>
        %parallel_loop3A_352 = arith.addf %parallel_loop3A_323, %parallel_loop3A_351 : vector<16xf32>
        %parallel_loop3A_353 = arith.constant 1 : i32
        %parallel_loop3A_354 = arith.constant 3 : i32
        %parallel_loop3A_355 = arith.index_cast %parallel_loop3A_353 : i32 to index
        %parallel_loop3A_356 = arith.index_cast %parallel_loop3A_354 : i32 to index
        %parallel_loop3A_357 = arith.index_cast %parallel_loop3A_326 : i32 to index
        %parallel_loop3A_358 = tpu.vector_load %arg6[%parallel_loop3A_355, %parallel_loop3A_356, %parallel_loop3A_357] {strides = array<i32>} : memref<2x4x10000xf32, #tpu.memory_space<vmem>>, vector<16xf32>,
        %parallel_loop3A_359 = arith.mulf %parallel_loop3A_358, %parallel_loop3A_328 : vector<16xf32>
        %parallel_loop3A_360 = arith.addf %parallel_loop3A_324, %parallel_loop3A_359 : vector<16xf32>
        scf.yield %parallel_loop3A_336, %parallel_loop3A_344, %parallel_loop3A_352, %parallel_loop3A_360 : vector<16xf32>, vector<16xf32>, vector<16xf32>, vector<16xf32>
      } {sc.loop_unroll_factor = 8 : i64, sc.parallel_access}
      %iota3A = tpu.iota {dimensions = array<i32: 0>} : vector<16xi32>
      %broadcast_in_dim3A_173 = arith.constant 0.000000e+00 : f32
      %broadcast_in_dim3A_174 = vector.broadcast %broadcast_in_dim3A_173 : f32 to vector<16xf32>
      %eq3A = arith.constant 0 : i32
      %eq3A_175 = vector.broadcast %eq3A : i32 to vector<16xi32>
      %eq3A_176 = arith.cmpi eq, %iota3A, %eq3A_175 : vector<16xi32>
      %reduce_sum3A = arith.constant true
      %reduce_sum3A_177 = vector.broadcast %reduce_sum3A : i1 to vector<16xi1>
      %reduce_sum3A_178 = tpu.scan <sum>, %parallel_loop3A_76#0 masked %reduce_sum3A_177 : vector<16xf32>, vector<16xi1> -> vector<16xf32>
      %reduce_sum3A_179 = vector.extract %reduce_sum3A_178[15] : f32 from vector<16xf32>
      %broadcast_in_dim3A_180 = vector.broadcast %reduce_sum3A_179 : f32 to vector<16xf32>
      %select_n3A_181 = arith.select %eq3A_176, %broadcast_in_dim3A_180, %broadcast_in_dim3A_174 : vector<16xi1>, vector<16xf32>
      %eq3A_182 = arith.constant 1 : i32
      %eq3A_183 = vector.broadcast %eq3A_182 : i32 to vector<16xi32>
      %eq3A_184 = arith.cmpi eq, %iota3A, %eq3A_183 : vector<16xi32>
      %reduce_sum3A_185 = arith.constant true
      %reduce_sum3A_186 = vector.broadcast %reduce_sum3A_185 : i1 to vector<16xi1>
      %reduce_sum3A_187 = tpu.scan <sum>, %parallel_loop3A_76#1 masked %reduce_sum3A_186 : vector<16xf32>, vector<16xi1> -> vector<16xf32>
      %reduce_sum3A_188 = vector.extract %reduce_sum3A_187[15] : f32 from vector<16xf32>
      %broadcast_in_dim3A_189 = vector.broadcast %reduce_sum3A_188 : f32 to vector<16xf32>
      %select_n3A_190 = arith.select %eq3A_184, %broadcast_in_dim3A_189, %select_n3A_181 : vector<16xi1>, vector<16xf32>
      %eq3A_191 = arith.constant 2 : i32
      %eq3A_192 = vector.broadcast %eq3A_191 : i32 to vector<16xi32>
      %eq3A_193 = arith.cmpi eq, %iota3A, %eq3A_192 : vector<16xi32>
      %reduce_sum3A_194 = arith.constant true
      %reduce_sum3A_195 = vector.broadcast %reduce_sum3A_194 : i1 to vector<16xi1>
      %reduce_sum3A_196 = tpu.scan <sum>, %parallel_loop3A_76#2 masked %reduce_sum3A_195 : vector<16xf32>, vector<16xi1> -> vector<16xf32>
      %reduce_sum3A_197 = vector.extract %reduce_sum3A_196[15] : f32 from vector<16xf32>
      %broadcast_in_dim3A_198 = vector.broadcast %reduce_sum3A_197 : f32 to vector<16xf32>
      %select_n3A_199 = arith.select %eq3A_193, %broadcast_in_dim3A_198, %select_n3A_190 : vector<16xi1>, vector<16xf32>
      %eq3A_200 = arith.constant 3 : i32
      %eq3A_201 = vector.broadcast %eq3A_200 : i32 to vector<16xi32>
      %eq3A_202 = arith.cmpi eq, %iota3A, %eq3A_201 : vector<16xi32>
      %reduce_sum3A_203 = arith.constant true
      %reduce_sum3A_204 = vector.broadcast %reduce_sum3A_203 : i1 to vector<16xi1>
      %reduce_sum3A_205 = tpu.scan <sum>, %parallel_loop3A_76#3 masked %reduce_sum3A_204 : vector<16xf32>, vector<16xi1> -> vector<16xf32>
      %reduce_sum3A_206 = vector.extract %reduce_sum3A_205[15] : f32 from vector<16xf32>
      %broadcast_in_dim3A_207 = vector.broadcast %reduce_sum3A_206 : f32 to vector<16xf32>
      %select_n3A_208 = arith.select %eq3A_202, %broadcast_in_dim3A_207, %select_n3A_199 : vector<16xi1>, vector<16xf32>
      %eq3A_209 = arith.constant 4 : i32
      %eq3A_210 = vector.broadcast %eq3A_209 : i32 to vector<16xi32>
      %eq3A_211 = arith.cmpi eq, %iota3A, %eq3A_210 : vector<16xi32>
      %reduce_sum3A_212 = arith.constant true
      %reduce_sum3A_213 = vector.broadcast %reduce_sum3A_212 : i1 to vector<16xi1>
      %reduce_sum3A_214 = tpu.scan <sum>, %parallel_loop3A_108#0 masked %reduce_sum3A_213 : vector<16xf32>, vector<16xi1> -> vector<16xf32>
      %reduce_sum3A_215 = vector.extract %reduce_sum3A_214[15] : f32 from vector<16xf32>
      %broadcast_in_dim3A_216 = vector.broadcast %reduce_sum3A_215 : f32 to vector<16xf32>
      %select_n3A_217 = arith.select %eq3A_211, %broadcast_in_dim3A_216, %select_n3A_208 : vector<16xi1>, vector<16xf32>
      %eq3A_218 = arith.constant 5 : i32
      %eq3A_219 = vector.broadcast %eq3A_218 : i32 to vector<16xi32>
      %eq3A_220 = arith.cmpi eq, %iota3A, %eq3A_219 : vector<16xi32>
      %reduce_sum3A_221 = arith.constant true
      %reduce_sum3A_222 = vector.broadcast %reduce_sum3A_221 : i1 to vector<16xi1>
      %reduce_sum3A_223 = tpu.scan <sum>, %parallel_loop3A_108#1 masked %reduce_sum3A_222 : vector<16xf32>, vector<16xi1> -> vector<16xf32>
      %reduce_sum3A_224 = vector.extract %reduce_sum3A_223[15] : f32 from vector<16xf32>
      %broadcast_in_dim3A_225 = vector.broadcast %reduce_sum3A_224 : f32 to vector<16xf32>
      %select_n3A_226 = arith.select %eq3A_220, %broadcast_in_dim3A_225, %select_n3A_217 : vector<16xi1>, vector<16xf32>
      %eq3A_227 = arith.constant 6 : i32
      %eq3A_228 = vector.broadcast %eq3A_227 : i32 to vector<16xi32>
      %eq3A_229 = arith.cmpi eq, %iota3A, %eq3A_228 : vector<16xi32>
      %reduce_sum3A_230 = arith.constant true
      %reduce_sum3A_231 = vector.broadcast %reduce_sum3A_230 : i1 to vector<16xi1>
      %reduce_sum3A_232 = tpu.scan <sum>, %parallel_loop3A_108#2 masked %reduce_sum3A_231 : vector<16xf32>, vector<16xi1> -> vector<16xf32>
      %reduce_sum3A_233 = vector.extract %reduce_sum3A_232[15] : f32 from vector<16xf32>
      %broadcast_in_dim3A_234 = vector.broadcast %reduce_sum3A_233 : f32 to vector<16xf32>
      %select_n3A_235 = arith.select %eq3A_229, %broadcast_in_dim3A_234, %select_n3A_226 : vector<16xi1>, vector<16xf32>
      %eq3A_236 = arith.constant 7 : i32
      %eq3A_237 = vector.broadcast %eq3A_236 : i32 to vector<16xi32>
      %eq3A_238 = arith.cmpi eq, %iota3A, %eq3A_237 : vector<16xi32>
      %reduce_sum3A_239 = arith.constant true
      %reduce_sum3A_240 = vector.broadcast %reduce_sum3A_239 : i1 to vector<16xi1>
      %reduce_sum3A_241 = tpu.scan <sum>, %parallel_loop3A_108#3 masked %reduce_sum3A_240 : vector<16xf32>, vector<16xi1> -> vector<16xf32>
      %reduce_sum3A_242 = vector.extract %reduce_sum3A_241[15] : f32 from vector<16xf32>
      %broadcast_in_dim3A_243 = vector.broadcast %reduce_sum3A_242 : f32 to vector<16xf32>
      %select_n3A_244 = arith.select %eq3A_238, %broadcast_in_dim3A_243, %select_n3A_235 : vector<16xi1>, vector<16xf32>
      %eq3A_245 = arith.constant 8 : i32
      %eq3A_246 = vector.broadcast %eq3A_245 : i32 to vector<16xi32>
      %eq3A_247 = arith.cmpi eq, %iota3A, %eq3A_246 : vector<16xi32>
      %reduce_sum3A_248 = arith.constant true
      %reduce_sum3A_249 = vector.broadcast %reduce_sum3A_248 : i1 to vector<16xi1>
      %reduce_sum3A_250 = tpu.scan <sum>, %parallel_loop3A_140#0 masked %reduce_sum3A_249 : vector<16xf32>, vector<16xi1> -> vector<16xf32>
      %reduce_sum3A_251 = vector.extract %reduce_sum3A_250[15] : f32 from vector<16xf32>
      %broadcast_in_dim3A_252 = vector.broadcast %reduce_sum3A_251 : f32 to vector<16xf32>
      %select_n3A_253 = arith.select %eq3A_247, %broadcast_in_dim3A_252, %select_n3A_244 : vector<16xi1>, vector<16xf32>
      %eq3A_254 = arith.constant 9 : i32
      %eq3A_255 = vector.broadcast %eq3A_254 : i32 to vector<16xi32>
      %eq3A_256 = arith.cmpi eq, %iota3A, %eq3A_255 : vector<16xi32>
      %reduce_sum3A_257 = arith.constant true
      %reduce_sum3A_258 = vector.broadcast %reduce_sum3A_257 : i1 to vector<16xi1>
      %reduce_sum3A_259 = tpu.scan <sum>, %parallel_loop3A_140#1 masked %reduce_sum3A_258 : vector<16xf32>, vector<16xi1> -> vector<16xf32>
      %reduce_sum3A_260 = vector.extract %reduce_sum3A_259[15] : f32 from vector<16xf32>
      %broadcast_in_dim3A_261 = vector.broadcast %reduce_sum3A_260 : f32 to vector<16xf32>
      %select_n3A_262 = arith.select %eq3A_256, %broadcast_in_dim3A_261, %select_n3A_253 : vector<16xi1>, vector<16xf32>
      %eq3A_263 = arith.constant 10 : i32
      %eq3A_264 = vector.broadcast %eq3A_263 : i32 to vector<16xi32>
      %eq3A_265 = arith.cmpi eq, %iota3A, %eq3A_264 : vector<16xi32>
      %reduce_sum3A_266 = arith.constant true
      %reduce_sum3A_267 = vector.broadcast %reduce_sum3A_266 : i1 to vector<16xi1>
      %reduce_sum3A_268 = tpu.scan <sum>, %parallel_loop3A_140#2 masked %reduce_sum3A_267 : vector<16xf32>, vector<16xi1> -> vector<16xf32>
      %reduce_sum3A_269 = vector.extract %reduce_sum3A_268[15] : f32 from vector<16xf32>
      %broadcast_in_dim3A_270 = vector.broadcast %reduce_sum3A_269 : f32 to vector<16xf32>
      %select_n3A_271 = arith.select %eq3A_265, %broadcast_in_dim3A_270, %select_n3A_262 : vector<16xi1>, vector<16xf32>
      %eq3A_272 = arith.constant 11 : i32
      %eq3A_273 = vector.broadcast %eq3A_272 : i32 to vector<16xi32>
      %eq3A_274 = arith.cmpi eq, %iota3A, %eq3A_273 : vector<16xi32>
      %reduce_sum3A_275 = arith.constant true
      %reduce_sum3A_276 = vector.broadcast %reduce_sum3A_275 : i1 to vector<16xi1>
      %reduce_sum3A_277 = tpu.scan <sum>, %parallel_loop3A_140#3 masked %reduce_sum3A_276 : vector<16xf32>, vector<16xi1> -> vector<16xf32>
      %reduce_sum3A_278 = vector.extract %reduce_sum3A_277[15] : f32 from vector<16xf32>
      %broadcast_in_dim3A_279 = vector.broadcast %reduce_sum3A_278 : f32 to vector<16xf32>
      %select_n3A_280 = arith.select %eq3A_274, %broadcast_in_dim3A_279, %select_n3A_271 : vector<16xi1>, vector<16xf32>
      %eq3A_281 = arith.constant 12 : i32
      %eq3A_282 = vector.broadcast %eq3A_281 : i32 to vector<16xi32>
      %eq3A_283 = arith.cmpi eq, %iota3A, %eq3A_282 : vector<16xi32>
      %reduce_sum3A_284 = arith.constant true
      %reduce_sum3A_285 = vector.broadcast %reduce_sum3A_284 : i1 to vector<16xi1>
      %reduce_sum3A_286 = tpu.scan <sum>, %parallel_loop3A_172#0 masked %reduce_sum3A_285 : vector<16xf32>, vector<16xi1> -> vector<16xf32>
      %reduce_sum3A_287 = vector.extract %reduce_sum3A_286[15] : f32 from vector<16xf32>
      %broadcast_in_dim3A_288 = vector.broadcast %reduce_sum3A_287 : f32 to vector<16xf32>
      %select_n3A_289 = arith.select %eq3A_283, %broadcast_in_dim3A_288, %select_n3A_280 : vector<16xi1>, vector<16xf32>
      %eq3A_290 = arith.constant 13 : i32
      %eq3A_291 = vector.broadcast %eq3A_290 : i32 to vector<16xi32>
      %eq3A_292 = arith.cmpi eq, %iota3A, %eq3A_291 : vector<16xi32>
      %reduce_sum3A_293 = arith.constant true
      %reduce_sum3A_294 = vector.broadcast %reduce_sum3A_293 : i1 to vector<16xi1>
      %reduce_sum3A_295 = tpu.scan <sum>, %parallel_loop3A_172#1 masked %reduce_sum3A_294 : vector<16xf32>, vector<16xi1> -> vector<16xf32>
      %reduce_sum3A_296 = vector.extract %reduce_sum3A_295[15] : f32 from vector<16xf32>
      %broadcast_in_dim3A_297 = vector.broadcast %reduce_sum3A_296 : f32 to vector<16xf32>
      %select_n3A_298 = arith.select %eq3A_292, %broadcast_in_dim3A_297, %select_n3A_289 : vector<16xi1>, vector<16xf32>
      %eq3A_299 = arith.constant 14 : i32
      %eq3A_300 = vector.broadcast %eq3A_299 : i32 to vector<16xi32>
      %eq3A_301 = arith.cmpi eq, %iota3A, %eq3A_300 : vector<16xi32>
      %reduce_sum3A_302 = arith.constant true
      %reduce_sum3A_303 = vector.broadcast %reduce_sum3A_302 : i1 to vector<16xi1>
      %reduce_sum3A_304 = tpu.scan <sum>, %parallel_loop3A_172#2 masked %reduce_sum3A_303 : vector<16xf32>, vector<16xi1> -> vector<16xf32>
      %reduce_sum3A_305 = vector.extract %reduce_sum3A_304[15] : f32 from vector<16xf32>
      %broadcast_in_dim3A_306 = vector.broadcast %reduce_sum3A_305 : f32 to vector<16xf32>
      %select_n3A_307 = arith.select %eq3A_301, %broadcast_in_dim3A_306, %select_n3A_298 : vector<16xi1>, vector<16xf32>
      %eq3A_308 = arith.constant 15 : i32
      %eq3A_309 = vector.broadcast %eq3A_308 : i32 to vector<16xi32>
      %eq3A_310 = arith.cmpi eq, %iota3A, %eq3A_309 : vector<16xi32>
      %reduce_sum3A_311 = arith.constant true
      %reduce_sum3A_312 = vector.broadcast %reduce_sum3A_311 : i1 to vector<16xi1>
      %reduce_sum3A_313 = tpu.scan <sum>, %parallel_loop3A_172#3 masked %reduce_sum3A_312 : vector<16xf32>, vector<16xi1> -> vector<16xf32>
      %reduce_sum3A_314 = vector.extract %reduce_sum3A_313[15] : f32 from vector<16xf32>
      %broadcast_in_dim3A_315 = vector.broadcast %reduce_sum3A_314 : f32 to vector<16xf32>
      %select_n3A_316 = arith.select %eq3A_310, %broadcast_in_dim3A_315, %select_n3A_307 : vector<16xi1>, vector<16xf32>
      %mul3A_317 = arith.constant 16 : i32
      %mul3A_318 = arith.muli %while3A_47, %mul3A_317 : i32
      %swap3A = arith.index_cast %mul3A_318 : i32 to index
      %swap3A_319 = tpu.vector_load %arg7[%swap3A] {strides = array<i32>} : memref<128xf32, #tpu.memory_space<vmem>>, vector<16xf32>,
      tpu.vector_store %arg7[%swap3A], %select_n3A_316 {strides = array<i32>} : memref<128xf32, #tpu.memory_space<vmem>>, vector<16xf32>,
    }
    %while3A_39 = arith.constant 1 : i32
    scf.for %while3A_47 = %while3A_37 to %while3A_33 step %while3A_39  : i32 {
      %mul3A_48 = arith.constant 4 : i32
      %mul3A_49 = arith.muli %while3A_47, %mul3A_48 : i32
      %add3A_50 = arith.constant 0 : i32
      %add3A_51 = arith.addi %mul3A_49, %add3A_50 : i32
      %mul3A_52 = arith.constant 4 : i32
      %mul3A_53 = arith.muli %add3A_51, %mul3A_52 : i32
      %add3A_54 = arith.addi %add3A_12, %mul3A_53 : i32
      %dma_wait3A = arith.constant 0 : i32
      %dma_wait3A_55 = arith.constant 0 : i32
      %dma_wait3A_56 = arith.constant 0 : i32
      %dma_wait3A_57 = tpu.memref_slice %arg6[%dma_wait3A, %dma_wait3A_55, %dma_wait3A_56] : memref<2x4x10000xf32, #tpu.memory_space<vmem>> -> memref<1x4x10000xf32, #tpu.memory_space<vmem>>
      %dma_wait3A_58 = tpu.memref_squeeze %dma_wait3A_57 : memref<1x4x10000xf32, #tpu.memory_space<vmem>> -> memref<4x10000xf32, #tpu.memory_space<vmem>>
      %dma_wait3A_59 = arith.constant 0 : i32
      %dma_wait3A_60 = tpu.memref_slice %arg2[%add3A_54, %dma_wait3A_59] : memref<10000x10000xf32, #tpu.memory_space<hbm>> -> memref<4x10000xf32, #tpu.memory_space<hbm>>
      %dma_wait3A_61 = arith.constant 0 : i32
      %dma_wait3A_62 = arith.constant 0 : i32
      %dma_wait3A_63 = tpu.memref_slice %arg6[%dma_wait3A, %dma_wait3A_61, %dma_wait3A_62] : memref<2x4x10000xf32, #tpu.memory_space<vmem>> -> memref<1x4x10000xf32, #tpu.memory_space<vmem>>
      %dma_wait3A_64 = tpu.memref_squeeze %dma_wait3A_63 : memref<1x4x10000xf32, #tpu.memory_space<vmem>> -> memref<4x10000xf32, #tpu.memory_space<vmem>>
      %dma_wait3A_65 = arith.constant 0 : i32
      %dma_wait3A_66 = tpu.memref_slice %arg2[%add3A_54, %dma_wait3A_65] : memref<10000x10000xf32, #tpu.memory_space<hbm>> -> memref<4x10000xf32, #tpu.memory_space<hbm>>
      tpu.wait_dma2 semaphore(%arg8 : memref<!tpu.dma_semaphore, #tpu.memory_space<semaphore_mem>>) src(%dma_wait3A_66 : memref<4x10000xf32, #tpu.memory_space<hbm>>) dst(%dma_wait3A_64 : memref<4x10000xf32, #tpu.memory_space<vmem>>)
      %add3A_67 = arith.constant 1 : i32
      %add3A_68 = arith.addi %add3A_51, %add3A_67 : i32
      %lt3A_69 = arith.cmpi slt, %add3A_68, %mul3A_16 : i32
      %convert_element_type3A_70 = arith.extui %lt3A_69 : i1 to i32
      %cond3A_71 = arith.constant 0 : i32
      %cond3A_72 = arith.cmpi ne, %convert_element_type3A_70, %cond3A_71 : i32
      scf.if %cond3A_72 {
        %add3A_320 = arith.constant 1 : i32
        %add3A_321 = arith.addi %add3A_51, %add3A_320 : i32
        %mul3A_322 = arith.constant 4 : i32
        %mul3A_323 = arith.muli %add3A_321, %mul3A_322 : i32
        %add3A_324 = arith.addi %add3A_12, %mul3A_323 : i32
        %dma_start3A_325 = arith.constant 1 : i32
        %dma_start3A_326 = arith.constant 0 : i32
        %dma_start3A_327 = arith.constant 0 : i32
        %dma_start3A_328 = tpu.memref_slice %arg6[%dma_start3A_325, %dma_start3A_326, %dma_start3A_327] : memref<2x4x10000xf32, #tpu.memory_space<vmem>> -> memref<1x4x10000xf32, #tpu.memory_space<vmem>>
        %dma_start3A_329 = tpu.memref_squeeze %dma_start3A_328 : memref<1x4x10000xf32, #tpu.memory_space<vmem>> -> memref<4x10000xf32, #tpu.memory_space<vmem>>
        %dma_start3A_330 = arith.constant 0 : i32
        %dma_start3A_331 = tpu.memref_slice %arg2[%add3A_324, %dma_start3A_330] : memref<10000x10000xf32, #tpu.memory_space<hbm>> -> memref<4x10000xf32, #tpu.memory_space<hbm>>
        %dma_start3A_332 = arith.constant 0 : i32
        %dma_start3A_333 = arith.constant 0 : i32
        %dma_start3A_334 = tpu.memref_slice %arg6[%dma_start3A_325, %dma_start3A_332, %dma_start3A_333] : memref<2x4x10000xf32, #tpu.memory_space<vmem>> -> memref<1x4x10000xf32, #tpu.memory_space<vmem>>
        %dma_start3A_335 = tpu.memref_squeeze %dma_start3A_334 : memref<1x4x10000xf32, #tpu.memory_space<vmem>> -> memref<4x10000xf32, #tpu.memory_space<vmem>>
        %dma_start3A_336 = arith.constant 0 : i32
        %dma_start3A_337 = tpu.memref_slice %arg2[%add3A_324, %dma_start3A_336] : memref<10000x10000xf32, #tpu.memory_space<hbm>> -> memref<4x10000xf32, #tpu.memory_space<hbm>>
        tpu.enqueue_dma source(%dma_start3A_337 : memref<4x10000xf32, #tpu.memory_space<hbm>>) target(%dma_start3A_335 : memref<4x10000xf32, #tpu.memory_space<vmem>>) target_semaphore(%arg9 : memref<!tpu.dma_semaphore, #tpu.memory_space<semaphore_mem>>)
      } else {
      }
      %broadcast_in_dim3A = arith.constant 0.000000e+00 : f32
      %broadcast_in_dim3A_73 = vector.broadcast %broadcast_in_dim3A : f32 to vector<16xf32>
      %parallel_loop3A = arith.constant 0 : i32
      %parallel_loop3A_74 = arith.constant 625 : i32
      %parallel_loop3A_75 = arith.constant 1 : i32
      %parallel_loop3A_76:4 = scf.for %parallel_loop3A_320 = %parallel_loop3A to %parallel_loop3A_74 step %parallel_loop3A_75 iter_args(%parallel_loop3A_321 = %broadcast_in_dim3A_73, %parallel_loop3A_322 = %broadcast_in_dim3A_73, %parallel_loop3A_323 = %broadcast_in_dim3A_73, %parallel_loop3A_324 = %broadcast_in_dim3A_73) -> (vector<16xf32>, vector<16xf32>, vector<16xf32>, vector<16xf32>)  : i32 {
        %parallel_loop3A_325 = arith.constant 16 : i32
        %parallel_loop3A_326 = arith.muli %parallel_loop3A_320, %parallel_loop3A_325 : i32
        %parallel_loop3A_327 = arith.index_cast %parallel_loop3A_326 : i32 to index
        %parallel_loop3A_328 = tpu.vector_load %arg5[%parallel_loop3A_327] {strides = array<i32>} : memref<10000xf32, #tpu.memory_space<vmem>>, vector<16xf32>,
        %parallel_loop3A_329 = arith.constant 0 : i32
        %parallel_loop3A_330 = arith.constant 0 : i32
        %parallel_loop3A_331 = arith.index_cast %parallel_loop3A_329 : i32 to index
        %parallel_loop3A_332 = arith.index_cast %parallel_loop3A_330 : i32 to index
        %parallel_loop3A_333 = arith.index_cast %parallel_loop3A_326 : i32 to index
        %parallel_loop3A_334 = tpu.vector_load %arg6[%parallel_loop3A_331, %parallel_loop3A_332, %parallel_loop3A_333] {strides = array<i32>} : memref<2x4x10000xf32, #tpu.memory_space<vmem>>, vector<16xf32>,
        %parallel_loop3A_335 = arith.mulf %parallel_loop3A_334, %parallel_loop3A_328 : vector<16xf32>
        %parallel_loop3A_336 = arith.addf %parallel_loop3A_321, %parallel_loop3A_335 : vector<16xf32>
        %parallel_loop3A_337 = arith.constant 0 : i32
        %parallel_loop3A_338 = arith.constant 1 : i32
        %parallel_loop3A_339 = arith.index_cast %parallel_loop3A_337 : i32 to index
        %parallel_loop3A_340 = arith.index_cast %parallel_loop3A_338 : i32 to index
        %parallel_loop3A_341 = arith.index_cast %parallel_loop3A_326 : i32 to index
        %parallel_loop3A_342 = tpu.vector_load %arg6[%parallel_loop3A_339, %parallel_loop3A_340, %parallel_loop3A_341] {strides = array<i32>} : memref<2x4x10000xf32, #tpu.memory_space<vmem>>, vector<16xf32>,
        %parallel_loop3A_343 = arith.mulf %parallel_loop3A_342, %parallel_loop3A_328 : vector<16xf32>
        %parallel_loop3A_344 = arith.addf %parallel_loop3A_322, %parallel_loop3A_343 : vector<16xf32>
        %parallel_loop3A_345 = arith.constant 0 : i32
        %parallel_loop3A_346 = arith.constant 2 : i32
        %parallel_loop3A_347 = arith.index_cast %parallel_loop3A_345 : i32 to index
        %parallel_loop3A_348 = arith.index_cast %parallel_loop3A_346 : i32 to index
        %parallel_loop3A_349 = arith.index_cast %parallel_loop3A_326 : i32 to index
        %parallel_loop3A_350 = tpu.vector_load %arg6[%parallel_loop3A_347, %parallel_loop3A_348, %parallel_loop3A_349] {strides = array<i32>} : memref<2x4x10000xf32, #tpu.memory_space<vmem>>, vector<16xf32>,
        %parallel_loop3A_351 = arith.mulf %parallel_loop3A_350, %parallel_loop3A_328 : vector<16xf32>
        %parallel_loop3A_352 = arith.addf %parallel_loop3A_323, %parallel_loop3A_351 : vector<16xf32>
        %parallel_loop3A_353 = arith.constant 0 : i32
        %parallel_loop3A_354 = arith.constant 3 : i32
        %parallel_loop3A_355 = arith.index_cast %parallel_loop3A_353 : i32 to index
        %parallel_loop3A_356 = arith.index_cast %parallel_loop3A_354 : i32 to index
        %parallel_loop3A_357 = arith.index_cast %parallel_loop3A_326 : i32 to index
        %parallel_loop3A_358 = tpu.vector_load %arg6[%parallel_loop3A_355, %parallel_loop3A_356, %parallel_loop3A_357] {strides = array<i32>} : memref<2x4x10000xf32, #tpu.memory_space<vmem>>, vector<16xf32>,
        %parallel_loop3A_359 = arith.mulf %parallel_loop3A_358, %parallel_loop3A_328 : vector<16xf32>
        %parallel_loop3A_360 = arith.addf %parallel_loop3A_324, %parallel_loop3A_359 : vector<16xf32>
        scf.yield %parallel_loop3A_336, %parallel_loop3A_344, %parallel_loop3A_352, %parallel_loop3A_360 : vector<16xf32>, vector<16xf32>, vector<16xf32>, vector<16xf32>
      } {sc.loop_unroll_factor = 8 : i64, sc.parallel_access}
      %mul3A_77 = arith.constant 4 : i32
      %mul3A_78 = arith.muli %while3A_47, %mul3A_77 : i32
      %add3A_79 = arith.constant 1 : i32
      %add3A_80 = arith.addi %mul3A_78, %add3A_79 : i32
      %mul3A_81 = arith.constant 4 : i32
      %mul3A_82 = arith.muli %add3A_80, %mul3A_81 : i32
      %add3A_83 = arith.addi %add3A_12, %mul3A_82 : i32
      %dma_wait3A_84 = arith.constant 1 : i32
      %dma_wait3A_85 = arith.constant 0 : i32
      %dma_wait3A_86 = arith.constant 0 : i32
      %dma_wait3A_87 = tpu.memref_slice %arg6[%dma_wait3A_84, %dma_wait3A_85, %dma_wait3A_86] : memref<2x4x10000xf32, #tpu.memory_space<vmem>> -> memref<1x4x10000xf32, #tpu.memory_space<vmem>>
      %dma_wait3A_88 = tpu.memref_squeeze %dma_wait3A_87 : memref<1x4x10000xf32, #tpu.memory_space<vmem>> -> memref<4x10000xf32, #tpu.memory_space<vmem>>
      %dma_wait3A_89 = arith.constant 0 : i32
      %dma_wait3A_90 = tpu.memref_slice %arg2[%add3A_83, %dma_wait3A_89] : memref<10000x10000xf32, #tpu.memory_space<hbm>> -> memref<4x10000xf32, #tpu.memory_space<hbm>>
      %dma_wait3A_91 = arith.constant 0 : i32
      %dma_wait3A_92 = arith.constant 0 : i32
      %dma_wait3A_93 = tpu.memref_slice %arg6[%dma_wait3A_84, %dma_wait3A_91, %dma_wait3A_92] : memref<2x4x10000xf32, #tpu.memory_space<vmem>> -> memref<1x4x10000xf32, #tpu.memory_space<vmem>>
      %dma_wait3A_94 = tpu.memref_squeeze %dma_wait3A_93 : memref<1x4x10000xf32, #tpu.memory_space<vmem>> -> memref<4x10000xf32, #tpu.memory_space<vmem>>
      %dma_wait3A_95 = arith.constant 0 : i32
      %dma_wait3A_96 = tpu.memref_slice %arg2[%add3A_83, %dma_wait3A_95] : memref<10000x10000xf32, #tpu.memory_space<hbm>> -> memref<4x10000xf32, #tpu.memory_space<hbm>>
      tpu.wait_dma2 semaphore(%arg9 : memref<!tpu.dma_semaphore, #tpu.memory_space<semaphore_mem>>) src(%dma_wait3A_96 : memref<4x10000xf32, #tpu.memory_space<hbm>>) dst(%dma_wait3A_94 : memref<4x10000xf32, #tpu.memory_space<vmem>>)
      %add3A_97 = arith.constant 1 : i32
      %add3A_98 = arith.addi %add3A_80, %add3A_97 : i32
      %lt3A_99 = arith.cmpi slt, %add3A_98, %mul3A_16 : i32
      %convert_element_type3A_100 = arith.extui %lt3A_99 : i1 to i32
      %cond3A_101 = arith.constant 0 : i32
      %cond3A_102 = arith.cmpi ne, %convert_element_type3A_100, %cond3A_101 : i32
      scf.if %cond3A_102 {
        %add3A_320 = arith.constant 1 : i32
        %add3A_321 = arith.addi %add3A_80, %add3A_320 : i32
        %mul3A_322 = arith.constant 4 : i32
        %mul3A_323 = arith.muli %add3A_321, %mul3A_322 : i32
        %add3A_324 = arith.addi %add3A_12, %mul3A_323 : i32
        %dma_start3A_325 = arith.constant 0 : i32
        %dma_start3A_326 = arith.constant 0 : i32
        %dma_start3A_327 = arith.constant 0 : i32
        %dma_start3A_328 = tpu.memref_slice %arg6[%dma_start3A_325, %dma_start3A_326, %dma_start3A_327] : memref<2x4x10000xf32, #tpu.memory_space<vmem>> -> memref<1x4x10000xf32, #tpu.memory_space<vmem>>
        %dma_start3A_329 = tpu.memref_squeeze %dma_start3A_328 : memref<1x4x10000xf32, #tpu.memory_space<vmem>> -> memref<4x10000xf32, #tpu.memory_space<vmem>>
        %dma_start3A_330 = arith.constant 0 : i32
        %dma_start3A_331 = tpu.memref_slice %arg2[%add3A_324, %dma_start3A_330] : memref<10000x10000xf32, #tpu.memory_space<hbm>> -> memref<4x10000xf32, #tpu.memory_space<hbm>>
        %dma_start3A_332 = arith.constant 0 : i32
        %dma_start3A_333 = arith.constant 0 : i32
        %dma_start3A_334 = tpu.memref_slice %arg6[%dma_start3A_325, %dma_start3A_332, %dma_start3A_333] : memref<2x4x10000xf32, #tpu.memory_space<vmem>> -> memref<1x4x10000xf32, #tpu.memory_space<vmem>>
        %dma_start3A_335 = tpu.memref_squeeze %dma_start3A_334 : memref<1x4x10000xf32, #tpu.memory_space<vmem>> -> memref<4x10000xf32, #tpu.memory_space<vmem>>
        %dma_start3A_336 = arith.constant 0 : i32
        %dma_start3A_337 = tpu.memref_slice %arg2[%add3A_324, %dma_start3A_336] : memref<10000x10000xf32, #tpu.memory_space<hbm>> -> memref<4x10000xf32, #tpu.memory_space<hbm>>
        tpu.enqueue_dma source(%dma_start3A_337 : memref<4x10000xf32, #tpu.memory_space<hbm>>) target(%dma_start3A_335 : memref<4x10000xf32, #tpu.memory_space<vmem>>) target_semaphore(%arg8 : memref<!tpu.dma_semaphore, #tpu.memory_space<semaphore_mem>>)
      } else {
      }
      %broadcast_in_dim3A_103 = arith.constant 0.000000e+00 : f32
      %broadcast_in_dim3A_104 = vector.broadcast %broadcast_in_dim3A_103 : f32 to vector<16xf32>
      %parallel_loop3A_105 = arith.constant 0 : i32
      %parallel_loop3A_106 = arith.constant 625 : i32
      %parallel_loop3A_107 = arith.constant 1 : i32
      %parallel_loop3A_108:4 = scf.for %parallel_loop3A_320 = %parallel_loop3A_105 to %parallel_loop3A_106 step %parallel_loop3A_107 iter_args(%parallel_loop3A_321 = %broadcast_in_dim3A_104, %parallel_loop3A_322 = %broadcast_in_dim3A_104, %parallel_loop3A_323 = %broadcast_in_dim3A_104, %parallel_loop3A_324 = %broadcast_in_dim3A_104) -> (vector<16xf32>, vector<16xf32>, vector<16xf32>, vector<16xf32>)  : i32 {
        %parallel_loop3A_325 = arith.constant 16 : i32
        %parallel_loop3A_326 = arith.muli %parallel_loop3A_320, %parallel_loop3A_325 : i32
        %parallel_loop3A_327 = arith.index_cast %parallel_loop3A_326 : i32 to index
        %parallel_loop3A_328 = tpu.vector_load %arg5[%parallel_loop3A_327] {strides = array<i32>} : memref<10000xf32, #tpu.memory_space<vmem>>, vector<16xf32>,
        %parallel_loop3A_329 = arith.constant 1 : i32
        %parallel_loop3A_330 = arith.constant 0 : i32
        %parallel_loop3A_331 = arith.index_cast %parallel_loop3A_329 : i32 to index
        %parallel_loop3A_332 = arith.index_cast %parallel_loop3A_330 : i32 to index
        %parallel_loop3A_333 = arith.index_cast %parallel_loop3A_326 : i32 to index
        %parallel_loop3A_334 = tpu.vector_load %arg6[%parallel_loop3A_331, %parallel_loop3A_332, %parallel_loop3A_333] {strides = array<i32>} : memref<2x4x10000xf32, #tpu.memory_space<vmem>>, vector<16xf32>,
        %parallel_loop3A_335 = arith.mulf %parallel_loop3A_334, %parallel_loop3A_328 : vector<16xf32>
        %parallel_loop3A_336 = arith.addf %parallel_loop3A_321, %parallel_loop3A_335 : vector<16xf32>
        %parallel_loop3A_337 = arith.constant 1 : i32
        %parallel_loop3A_338 = arith.constant 1 : i32
        %parallel_loop3A_339 = arith.index_cast %parallel_loop3A_337 : i32 to index
        %parallel_loop3A_340 = arith.index_cast %parallel_loop3A_338 : i32 to index
        %parallel_loop3A_341 = arith.index_cast %parallel_loop3A_326 : i32 to index
        %parallel_loop3A_342 = tpu.vector_load %arg6[%parallel_loop3A_339, %parallel_loop3A_340, %parallel_loop3A_341] {strides = array<i32>} : memref<2x4x10000xf32, #tpu.memory_space<vmem>>, vector<16xf32>,
        %parallel_loop3A_343 = arith.mulf %parallel_loop3A_342, %parallel_loop3A_328 : vector<16xf32>
        %parallel_loop3A_344 = arith.addf %parallel_loop3A_322, %parallel_loop3A_343 : vector<16xf32>
        %parallel_loop3A_345 = arith.constant 1 : i32
        %parallel_loop3A_346 = arith.constant 2 : i32
        %parallel_loop3A_347 = arith.index_cast %parallel_loop3A_345 : i32 to index
        %parallel_loop3A_348 = arith.index_cast %parallel_loop3A_346 : i32 to index
        %parallel_loop3A_349 = arith.index_cast %parallel_loop3A_326 : i32 to index
        %parallel_loop3A_350 = tpu.vector_load %arg6[%parallel_loop3A_347, %parallel_loop3A_348, %parallel_loop3A_349] {strides = array<i32>} : memref<2x4x10000xf32, #tpu.memory_space<vmem>>, vector<16xf32>,
        %parallel_loop3A_351 = arith.mulf %parallel_loop3A_350, %parallel_loop3A_328 : vector<16xf32>
        %parallel_loop3A_352 = arith.addf %parallel_loop3A_323, %parallel_loop3A_351 : vector<16xf32>
        %parallel_loop3A_353 = arith.constant 1 : i32
        %parallel_loop3A_354 = arith.constant 3 : i32
        %parallel_loop3A_355 = arith.index_cast %parallel_loop3A_353 : i32 to index
        %parallel_loop3A_356 = arith.index_cast %parallel_loop3A_354 : i32 to index
        %parallel_loop3A_357 = arith.index_cast %parallel_loop3A_326 : i32 to index
        %parallel_loop3A_358 = tpu.vector_load %arg6[%parallel_loop3A_355, %parallel_loop3A_356, %parallel_loop3A_357] {strides = array<i32>} : memref<2x4x10000xf32, #tpu.memory_space<vmem>>, vector<16xf32>,
        %parallel_loop3A_359 = arith.mulf %parallel_loop3A_358, %parallel_loop3A_328 : vector<16xf32>
        %parallel_loop3A_360 = arith.addf %parallel_loop3A_324, %parallel_loop3A_359 : vector<16xf32>
        scf.yield %parallel_loop3A_336, %parallel_loop3A_344, %parallel_loop3A_352, %parallel_loop3A_360 : vector<16xf32>, vector<16xf32>, vector<16xf32>, vector<16xf32>
      } {sc.loop_unroll_factor = 8 : i64, sc.parallel_access}
      %mul3A_109 = arith.constant 4 : i32
      %mul3A_110 = arith.muli %while3A_47, %mul3A_109 : i32
      %add3A_111 = arith.constant 2 : i32
      %add3A_112 = arith.addi %mul3A_110, %add3A_111 : i32
      %mul3A_113 = arith.constant 4 : i32
      %mul3A_114 = arith.muli %add3A_112, %mul3A_113 : i32
      %add3A_115 = arith.addi %add3A_12, %mul3A_114 : i32
      %dma_wait3A_116 = arith.constant 0 : i32
      %dma_wait3A_117 = arith.constant 0 : i32
      %dma_wait3A_118 = arith.constant 0 : i32
      %dma_wait3A_119 = tpu.memref_slice %arg6[%dma_wait3A_116, %dma_wait3A_117, %dma_wait3A_118] : memref<2x4x10000xf32, #tpu.memory_space<vmem>> -> memref<1x4x10000xf32, #tpu.memory_space<vmem>>
      %dma_wait3A_120 = tpu.memref_squeeze %dma_wait3A_119 : memref<1x4x10000xf32, #tpu.memory_space<vmem>> -> memref<4x10000xf32, #tpu.memory_space<vmem>>
      %dma_wait3A_121 = arith.constant 0 : i32
      %dma_wait3A_122 = tpu.memref_slice %arg2[%add3A_115, %dma_wait3A_121] : memref<10000x10000xf32, #tpu.memory_space<hbm>> -> memref<4x10000xf32, #tpu.memory_space<hbm>>
      %dma_wait3A_123 = arith.constant 0 : i32
      %dma_wait3A_124 = arith.constant 0 : i32
      %dma_wait3A_125 = tpu.memref_slice %arg6[%dma_wait3A_116, %dma_wait3A_123, %dma_wait3A_124] : memref<2x4x10000xf32, #tpu.memory_space<vmem>> -> memref<1x4x10000xf32, #tpu.memory_space<vmem>>
      %dma_wait3A_126 = tpu.memref_squeeze %dma_wait3A_125 : memref<1x4x10000xf32, #tpu.memory_space<vmem>> -> memref<4x10000xf32, #tpu.memory_space<vmem>>
      %dma_wait3A_127 = arith.constant 0 : i32
      %dma_wait3A_128 = tpu.memref_slice %arg2[%add3A_115, %dma_wait3A_127] : memref<10000x10000xf32, #tpu.memory_space<hbm>> -> memref<4x10000xf32, #tpu.memory_space<hbm>>
      tpu.wait_dma2 semaphore(%arg8 : memref<!tpu.dma_semaphore, #tpu.memory_space<semaphore_mem>>) src(%dma_wait3A_128 : memref<4x10000xf32, #tpu.memory_space<hbm>>) dst(%dma_wait3A_126 : memref<4x10000xf32, #tpu.memory_space<vmem>>)
      %add3A_129 = arith.constant 1 : i32
      %add3A_130 = arith.addi %add3A_112, %add3A_129 : i32
      %lt3A_131 = arith.cmpi slt, %add3A_130, %mul3A_16 : i32
      %convert_element_type3A_132 = arith.extui %lt3A_131 : i1 to i32
      %cond3A_133 = arith.constant 0 : i32
      %cond3A_134 = arith.cmpi ne, %convert_element_type3A_132, %cond3A_133 : i32
      scf.if %cond3A_134 {
        %add3A_320 = arith.constant 1 : i32
        %add3A_321 = arith.addi %add3A_112, %add3A_320 : i32
        %mul3A_322 = arith.constant 4 : i32
        %mul3A_323 = arith.muli %add3A_321, %mul3A_322 : i32
        %add3A_324 = arith.addi %add3A_12, %mul3A_323 : i32
        %dma_start3A_325 = arith.constant 1 : i32
        %dma_start3A_326 = arith.constant 0 : i32
        %dma_start3A_327 = arith.constant 0 : i32
        %dma_start3A_328 = tpu.memref_slice %arg6[%dma_start3A_325, %dma_start3A_326, %dma_start3A_327] : memref<2x4x10000xf32, #tpu.memory_space<vmem>> -> memref<1x4x10000xf32, #tpu.memory_space<vmem>>
        %dma_start3A_329 = tpu.memref_squeeze %dma_start3A_328 : memref<1x4x10000xf32, #tpu.memory_space<vmem>> -> memref<4x10000xf32, #tpu.memory_space<vmem>>
        %dma_start3A_330 = arith.constant 0 : i32
        %dma_start3A_331 = tpu.memref_slice %arg2[%add3A_324, %dma_start3A_330] : memref<10000x10000xf32, #tpu.memory_space<hbm>> -> memref<4x10000xf32, #tpu.memory_space<hbm>>
        %dma_start3A_332 = arith.constant 0 : i32
        %dma_start3A_333 = arith.constant 0 : i32
        %dma_start3A_334 = tpu.memref_slice %arg6[%dma_start3A_325, %dma_start3A_332, %dma_start3A_333] : memref<2x4x10000xf32, #tpu.memory_space<vmem>> -> memref<1x4x10000xf32, #tpu.memory_space<vmem>>
        %dma_start3A_335 = tpu.memref_squeeze %dma_start3A_334 : memref<1x4x10000xf32, #tpu.memory_space<vmem>> -> memref<4x10000xf32, #tpu.memory_space<vmem>>
        %dma_start3A_336 = arith.constant 0 : i32
        %dma_start3A_337 = tpu.memref_slice %arg2[%add3A_324, %dma_start3A_336] : memref<10000x10000xf32, #tpu.memory_space<hbm>> -> memref<4x10000xf32, #tpu.memory_space<hbm>>
        tpu.enqueue_dma source(%dma_start3A_337 : memref<4x10000xf32, #tpu.memory_space<hbm>>) target(%dma_start3A_335 : memref<4x10000xf32, #tpu.memory_space<vmem>>) target_semaphore(%arg9 : memref<!tpu.dma_semaphore, #tpu.memory_space<semaphore_mem>>)
      } else {
      }
      %broadcast_in_dim3A_135 = arith.constant 0.000000e+00 : f32
      %broadcast_in_dim3A_136 = vector.broadcast %broadcast_in_dim3A_135 : f32 to vector<16xf32>
      %parallel_loop3A_137 = arith.constant 0 : i32
      %parallel_loop3A_138 = arith.constant 625 : i32
      %parallel_loop3A_139 = arith.constant 1 : i32
      %parallel_loop3A_140:4 = scf.for %parallel_loop3A_320 = %parallel_loop3A_137 to %parallel_loop3A_138 step %parallel_loop3A_139 iter_args(%parallel_loop3A_321 = %broadcast_in_dim3A_136, %parallel_loop3A_322 = %broadcast_in_dim3A_136, %parallel_loop3A_323 = %broadcast_in_dim3A_136, %parallel_loop3A_324 = %broadcast_in_dim3A_136) -> (vector<16xf32>, vector<16xf32>, vector<16xf32>, vector<16xf32>)  : i32 {
        %parallel_loop3A_325 = arith.constant 16 : i32
        %parallel_loop3A_326 = arith.muli %parallel_loop3A_320, %parallel_loop3A_325 : i32
        %parallel_loop3A_327 = arith.index_cast %parallel_loop3A_326 : i32 to index
        %parallel_loop3A_328 = tpu.vector_load %arg5[%parallel_loop3A_327] {strides = array<i32>} : memref<10000xf32, #tpu.memory_space<vmem>>, vector<16xf32>,
        %parallel_loop3A_329 = arith.constant 0 : i32
        %parallel_loop3A_330 = arith.constant 0 : i32
        %parallel_loop3A_331 = arith.index_cast %parallel_loop3A_329 : i32 to index
        %parallel_loop3A_332 = arith.index_cast %parallel_loop3A_330 : i32 to index
        %parallel_loop3A_333 = arith.index_cast %parallel_loop3A_326 : i32 to index
        %parallel_loop3A_334 = tpu.vector_load %arg6[%parallel_loop3A_331, %parallel_loop3A_332, %parallel_loop3A_333] {strides = array<i32>} : memref<2x4x10000xf32, #tpu.memory_space<vmem>>, vector<16xf32>,
        %parallel_loop3A_335 = arith.mulf %parallel_loop3A_334, %parallel_loop3A_328 : vector<16xf32>
        %parallel_loop3A_336 = arith.addf %parallel_loop3A_321, %parallel_loop3A_335 : vector<16xf32>
        %parallel_loop3A_337 = arith.constant 0 : i32
        %parallel_loop3A_338 = arith.constant 1 : i32
        %parallel_loop3A_339 = arith.index_cast %parallel_loop3A_337 : i32 to index
        %parallel_loop3A_340 = arith.index_cast %parallel_loop3A_338 : i32 to index
        %parallel_loop3A_341 = arith.index_cast %parallel_loop3A_326 : i32 to index
        %parallel_loop3A_342 = tpu.vector_load %arg6[%parallel_loop3A_339, %parallel_loop3A_340, %parallel_loop3A_341] {strides = array<i32>} : memref<2x4x10000xf32, #tpu.memory_space<vmem>>, vector<16xf32>,
        %parallel_loop3A_343 = arith.mulf %parallel_loop3A_342, %parallel_loop3A_328 : vector<16xf32>
        %parallel_loop3A_344 = arith.addf %parallel_loop3A_322, %parallel_loop3A_343 : vector<16xf32>
        %parallel_loop3A_345 = arith.constant 0 : i32
        %parallel_loop3A_346 = arith.constant 2 : i32
        %parallel_loop3A_347 = arith.index_cast %parallel_loop3A_345 : i32 to index
        %parallel_loop3A_348 = arith.index_cast %parallel_loop3A_346 : i32 to index
        %parallel_loop3A_349 = arith.index_cast %parallel_loop3A_326 : i32 to index
        %parallel_loop3A_350 = tpu.vector_load %arg6[%parallel_loop3A_347, %parallel_loop3A_348, %parallel_loop3A_349] {strides = array<i32>} : memref<2x4x10000xf32, #tpu.memory_space<vmem>>, vector<16xf32>,
        %parallel_loop3A_351 = arith.mulf %parallel_loop3A_350, %parallel_loop3A_328 : vector<16xf32>
        %parallel_loop3A_352 = arith.addf %parallel_loop3A_323, %parallel_loop3A_351 : vector<16xf32>
        %parallel_loop3A_353 = arith.constant 0 : i32
        %parallel_loop3A_354 = arith.constant 3 : i32
        %parallel_loop3A_355 = arith.index_cast %parallel_loop3A_353 : i32 to index
        %parallel_loop3A_356 = arith.index_cast %parallel_loop3A_354 : i32 to index
        %parallel_loop3A_357 = arith.index_cast %parallel_loop3A_326 : i32 to index
        %parallel_loop3A_358 = tpu.vector_load %arg6[%parallel_loop3A_355, %parallel_loop3A_356, %parallel_loop3A_357] {strides = array<i32>} : memref<2x4x10000xf32, #tpu.memory_space<vmem>>, vector<16xf32>,
        %parallel_loop3A_359 = arith.mulf %parallel_loop3A_358, %parallel_loop3A_328 : vector<16xf32>
        %parallel_loop3A_360 = arith.addf %parallel_loop3A_324, %parallel_loop3A_359 : vector<16xf32>
        scf.yield %parallel_loop3A_336, %parallel_loop3A_344, %parallel_loop3A_352, %parallel_loop3A_360 : vector<16xf32>, vector<16xf32>, vector<16xf32>, vector<16xf32>
      } {sc.loop_unroll_factor = 8 : i64, sc.parallel_access}
      %mul3A_141 = arith.constant 4 : i32
      %mul3A_142 = arith.muli %while3A_47, %mul3A_141 : i32
      %add3A_143 = arith.constant 3 : i32
      %add3A_144 = arith.addi %mul3A_142, %add3A_143 : i32
      %mul3A_145 = arith.constant 4 : i32
      %mul3A_146 = arith.muli %add3A_144, %mul3A_145 : i32
      %add3A_147 = arith.addi %add3A_12, %mul3A_146 : i32
      %dma_wait3A_148 = arith.constant 1 : i32
      %dma_wait3A_149 = arith.constant 0 : i32
      %dma_wait3A_150 = arith.constant 0 : i32
      %dma_wait3A_151 = tpu.memref_slice %arg6[%dma_wait3A_148, %dma_wait3A_149, %dma_wait3A_150] : memref<2x4x10000xf32, #tpu.memory_space<vmem>> -> memref<1x4x10000xf32, #tpu.memory_space<vmem>>
      %dma_wait3A_152 = tpu.memref_squeeze %dma_wait3A_151 : memref<1x4x10000xf32, #tpu.memory_space<vmem>> -> memref<4x10000xf32, #tpu.memory_space<vmem>>
      %dma_wait3A_153 = arith.constant 0 : i32
      %dma_wait3A_154 = tpu.memref_slice %arg2[%add3A_147, %dma_wait3A_153] : memref<10000x10000xf32, #tpu.memory_space<hbm>> -> memref<4x10000xf32, #tpu.memory_space<hbm>>
      %dma_wait3A_155 = arith.constant 0 : i32
      %dma_wait3A_156 = arith.constant 0 : i32
      %dma_wait3A_157 = tpu.memref_slice %arg6[%dma_wait3A_148, %dma_wait3A_155, %dma_wait3A_156] : memref<2x4x10000xf32, #tpu.memory_space<vmem>> -> memref<1x4x10000xf32, #tpu.memory_space<vmem>>
      %dma_wait3A_158 = tpu.memref_squeeze %dma_wait3A_157 : memref<1x4x10000xf32, #tpu.memory_space<vmem>> -> memref<4x10000xf32, #tpu.memory_space<vmem>>
      %dma_wait3A_159 = arith.constant 0 : i32
      %dma_wait3A_160 = tpu.memref_slice %arg2[%add3A_147, %dma_wait3A_159] : memref<10000x10000xf32, #tpu.memory_space<hbm>> -> memref<4x10000xf32, #tpu.memory_space<hbm>>
      tpu.wait_dma2 semaphore(%arg9 : memref<!tpu.dma_semaphore, #tpu.memory_space<semaphore_mem>>) src(%dma_wait3A_160 : memref<4x10000xf32, #tpu.memory_space<hbm>>) dst(%dma_wait3A_158 : memref<4x10000xf32, #tpu.memory_space<vmem>>)
      %add3A_161 = arith.constant 1 : i32
      %add3A_162 = arith.addi %add3A_144, %add3A_161 : i32
      %lt3A_163 = arith.cmpi slt, %add3A_162, %mul3A_16 : i32
      %convert_element_type3A_164 = arith.extui %lt3A_163 : i1 to i32
      %cond3A_165 = arith.constant 0 : i32
      %cond3A_166 = arith.cmpi ne, %convert_element_type3A_164, %cond3A_165 : i32
      scf.if %cond3A_166 {
        %add3A_320 = arith.constant 1 : i32
        %add3A_321 = arith.addi %add3A_144, %add3A_320 : i32
        %mul3A_322 = arith.constant 4 : i32
        %mul3A_323 = arith.muli %add3A_321, %mul3A_322 : i32
        %add3A_324 = arith.addi %add3A_12, %mul3A_323 : i32
        %dma_start3A_325 = arith.constant 0 : i32
        %dma_start3A_326 = arith.constant 0 : i32
        %dma_start3A_327 = arith.constant 0 : i32
        %dma_start3A_328 = tpu.memref_slice %arg6[%dma_start3A_325, %dma_start3A_326, %dma_start3A_327] : memref<2x4x10000xf32, #tpu.memory_space<vmem>> -> memref<1x4x10000xf32, #tpu.memory_space<vmem>>
        %dma_start3A_329 = tpu.memref_squeeze %dma_start3A_328 : memref<1x4x10000xf32, #tpu.memory_space<vmem>> -> memref<4x10000xf32, #tpu.memory_space<vmem>>
        %dma_start3A_330 = arith.constant 0 : i32
        %dma_start3A_331 = tpu.memref_slice %arg2[%add3A_324, %dma_start3A_330] : memref<10000x10000xf32, #tpu.memory_space<hbm>> -> memref<4x10000xf32, #tpu.memory_space<hbm>>
        %dma_start3A_332 = arith.constant 0 : i32
        %dma_start3A_333 = arith.constant 0 : i32
        %dma_start3A_334 = tpu.memref_slice %arg6[%dma_start3A_325, %dma_start3A_332, %dma_start3A_333] : memref<2x4x10000xf32, #tpu.memory_space<vmem>> -> memref<1x4x10000xf32, #tpu.memory_space<vmem>>
        %dma_start3A_335 = tpu.memref_squeeze %dma_start3A_334 : memref<1x4x10000xf32, #tpu.memory_space<vmem>> -> memref<4x10000xf32, #tpu.memory_space<vmem>>
        %dma_start3A_336 = arith.constant 0 : i32
        %dma_start3A_337 = tpu.memref_slice %arg2[%add3A_324, %dma_start3A_336] : memref<10000x10000xf32, #tpu.memory_space<hbm>> -> memref<4x10000xf32, #tpu.memory_space<hbm>>
        tpu.enqueue_dma source(%dma_start3A_337 : memref<4x10000xf32, #tpu.memory_space<hbm>>) target(%dma_start3A_335 : memref<4x10000xf32, #tpu.memory_space<vmem>>) target_semaphore(%arg8 : memref<!tpu.dma_semaphore, #tpu.memory_space<semaphore_mem>>)
      } else {
      }
      %broadcast_in_dim3A_167 = arith.constant 0.000000e+00 : f32
      %broadcast_in_dim3A_168 = vector.broadcast %broadcast_in_dim3A_167 : f32 to vector<16xf32>
      %parallel_loop3A_169 = arith.constant 0 : i32
      %parallel_loop3A_170 = arith.constant 625 : i32
      %parallel_loop3A_171 = arith.constant 1 : i32
      %parallel_loop3A_172:4 = scf.for %parallel_loop3A_320 = %parallel_loop3A_169 to %parallel_loop3A_170 step %parallel_loop3A_171 iter_args(%parallel_loop3A_321 = %broadcast_in_dim3A_168, %parallel_loop3A_322 = %broadcast_in_dim3A_168, %parallel_loop3A_323 = %broadcast_in_dim3A_168, %parallel_loop3A_324 = %broadcast_in_dim3A_168) -> (vector<16xf32>, vector<16xf32>, vector<16xf32>, vector<16xf32>)  : i32 {
        %parallel_loop3A_325 = arith.constant 16 : i32
        %parallel_loop3A_326 = arith.muli %parallel_loop3A_320, %parallel_loop3A_325 : i32
        %parallel_loop3A_327 = arith.index_cast %parallel_loop3A_326 : i32 to index
        %parallel_loop3A_328 = tpu.vector_load %arg5[%parallel_loop3A_327] {strides = array<i32>} : memref<10000xf32, #tpu.memory_space<vmem>>, vector<16xf32>,
        %parallel_loop3A_329 = arith.constant 1 : i32
        %parallel_loop3A_330 = arith.constant 0 : i32
        %parallel_loop3A_331 = arith.index_cast %parallel_loop3A_329 : i32 to index
        %parallel_loop3A_332 = arith.index_cast %parallel_loop3A_330 : i32 to index
        %parallel_loop3A_333 = arith.index_cast %parallel_loop3A_326 : i32 to index
        %parallel_loop3A_334 = tpu.vector_load %arg6[%parallel_loop3A_331, %parallel_loop3A_332, %parallel_loop3A_333] {strides = array<i32>} : memref<2x4x10000xf32, #tpu.memory_space<vmem>>, vector<16xf32>,
        %parallel_loop3A_335 = arith.mulf %parallel_loop3A_334, %parallel_loop3A_328 : vector<16xf32>
        %parallel_loop3A_336 = arith.addf %parallel_loop3A_321, %parallel_loop3A_335 : vector<16xf32>
        %parallel_loop3A_337 = arith.constant 1 : i32
        %parallel_loop3A_338 = arith.constant 1 : i32
        %parallel_loop3A_339 = arith.index_cast %parallel_loop3A_337 : i32 to index
        %parallel_loop3A_340 = arith.index_cast %parallel_loop3A_338 : i32 to index
        %parallel_loop3A_341 = arith.index_cast %parallel_loop3A_326 : i32 to index
        %parallel_loop3A_342 = tpu.vector_load %arg6[%parallel_loop3A_339, %parallel_loop3A_340, %parallel_loop3A_341] {strides = array<i32>} : memref<2x4x10000xf32, #tpu.memory_space<vmem>>, vector<16xf32>,
        %parallel_loop3A_343 = arith.mulf %parallel_loop3A_342, %parallel_loop3A_328 : vector<16xf32>
        %parallel_loop3A_344 = arith.addf %parallel_loop3A_322, %parallel_loop3A_343 : vector<16xf32>
        %parallel_loop3A_345 = arith.constant 1 : i32
        %parallel_loop3A_346 = arith.constant 2 : i32
        %parallel_loop3A_347 = arith.index_cast %parallel_loop3A_345 : i32 to index
        %parallel_loop3A_348 = arith.index_cast %parallel_loop3A_346 : i32 to index
        %parallel_loop3A_349 = arith.index_cast %parallel_loop3A_326 : i32 to index
        %parallel_loop3A_350 = tpu.vector_load %arg6[%parallel_loop3A_347, %parallel_loop3A_348, %parallel_loop3A_349] {strides = array<i32>} : memref<2x4x10000xf32, #tpu.memory_space<vmem>>, vector<16xf32>,
        %parallel_loop3A_351 = arith.mulf %parallel_loop3A_350, %parallel_loop3A_328 : vector<16xf32>
        %parallel_loop3A_352 = arith.addf %parallel_loop3A_323, %parallel_loop3A_351 : vector<16xf32>
        %parallel_loop3A_353 = arith.constant 1 : i32
        %parallel_loop3A_354 = arith.constant 3 : i32
        %parallel_loop3A_355 = arith.index_cast %parallel_loop3A_353 : i32 to index
        %parallel_loop3A_356 = arith.index_cast %parallel_loop3A_354 : i32 to index
        %parallel_loop3A_357 = arith.index_cast %parallel_loop3A_326 : i32 to index
        %parallel_loop3A_358 = tpu.vector_load %arg6[%parallel_loop3A_355, %parallel_loop3A_356, %parallel_loop3A_357] {strides = array<i32>} : memref<2x4x10000xf32, #tpu.memory_space<vmem>>, vector<16xf32>,
        %parallel_loop3A_359 = arith.mulf %parallel_loop3A_358, %parallel_loop3A_328 : vector<16xf32>
        %parallel_loop3A_360 = arith.addf %parallel_loop3A_324, %parallel_loop3A_359 : vector<16xf32>
        scf.yield %parallel_loop3A_336, %parallel_loop3A_344, %parallel_loop3A_352, %parallel_loop3A_360 : vector<16xf32>, vector<16xf32>, vector<16xf32>, vector<16xf32>
      } {sc.loop_unroll_factor = 8 : i64, sc.parallel_access}
      %iota3A = tpu.iota {dimensions = array<i32: 0>} : vector<16xi32>
      %broadcast_in_dim3A_173 = arith.constant 0.000000e+00 : f32
      %broadcast_in_dim3A_174 = vector.broadcast %broadcast_in_dim3A_173 : f32 to vector<16xf32>
      %eq3A = arith.constant 0 : i32
      %eq3A_175 = vector.broadcast %eq3A : i32 to vector<16xi32>
      %eq3A_176 = arith.cmpi eq, %iota3A, %eq3A_175 : vector<16xi32>
      %reduce_sum3A = arith.constant true
      %reduce_sum3A_177 = vector.broadcast %reduce_sum3A : i1 to vector<16xi1>
      %reduce_sum3A_178 = tpu.scan <sum>, %parallel_loop3A_76#0 masked %reduce_sum3A_177 : vector<16xf32>, vector<16xi1> -> vector<16xf32>
      %reduce_sum3A_179 = vector.extract %reduce_sum3A_178[15] : f32 from vector<16xf32>
      %broadcast_in_dim3A_180 = vector.broadcast %reduce_sum3A_179 : f32 to vector<16xf32>
      %select_n3A_181 = arith.select %eq3A_176, %broadcast_in_dim3A_180, %broadcast_in_dim3A_174 : vector<16xi1>, vector<16xf32>
      %eq3A_182 = arith.constant 1 : i32
      %eq3A_183 = vector.broadcast %eq3A_182 : i32 to vector<16xi32>
      %eq3A_184 = arith.cmpi eq, %iota3A, %eq3A_183 : vector<16xi32>
      %reduce_sum3A_185 = arith.constant true
      %reduce_sum3A_186 = vector.broadcast %reduce_sum3A_185 : i1 to vector<16xi1>
      %reduce_sum3A_187 = tpu.scan <sum>, %parallel_loop3A_76#1 masked %reduce_sum3A_186 : vector<16xf32>, vector<16xi1> -> vector<16xf32>
      %reduce_sum3A_188 = vector.extract %reduce_sum3A_187[15] : f32 from vector<16xf32>
      %broadcast_in_dim3A_189 = vector.broadcast %reduce_sum3A_188 : f32 to vector<16xf32>
      %select_n3A_190 = arith.select %eq3A_184, %broadcast_in_dim3A_189, %select_n3A_181 : vector<16xi1>, vector<16xf32>
      %eq3A_191 = arith.constant 2 : i32
      %eq3A_192 = vector.broadcast %eq3A_191 : i32 to vector<16xi32>
      %eq3A_193 = arith.cmpi eq, %iota3A, %eq3A_192 : vector<16xi32>
      %reduce_sum3A_194 = arith.constant true
      %reduce_sum3A_195 = vector.broadcast %reduce_sum3A_194 : i1 to vector<16xi1>
      %reduce_sum3A_196 = tpu.scan <sum>, %parallel_loop3A_76#2 masked %reduce_sum3A_195 : vector<16xf32>, vector<16xi1> -> vector<16xf32>
      %reduce_sum3A_197 = vector.extract %reduce_sum3A_196[15] : f32 from vector<16xf32>
      %broadcast_in_dim3A_198 = vector.broadcast %reduce_sum3A_197 : f32 to vector<16xf32>
      %select_n3A_199 = arith.select %eq3A_193, %broadcast_in_dim3A_198, %select_n3A_190 : vector<16xi1>, vector<16xf32>
      %eq3A_200 = arith.constant 3 : i32
      %eq3A_201 = vector.broadcast %eq3A_200 : i32 to vector<16xi32>
      %eq3A_202 = arith.cmpi eq, %iota3A, %eq3A_201 : vector<16xi32>
      %reduce_sum3A_203 = arith.constant true
      %reduce_sum3A_204 = vector.broadcast %reduce_sum3A_203 : i1 to vector<16xi1>
      %reduce_sum3A_205 = tpu.scan <sum>, %parallel_loop3A_76#3 masked %reduce_sum3A_204 : vector<16xf32>, vector<16xi1> -> vector<16xf32>
      %reduce_sum3A_206 = vector.extract %reduce_sum3A_205[15] : f32 from vector<16xf32>
      %broadcast_in_dim3A_207 = vector.broadcast %reduce_sum3A_206 : f32 to vector<16xf32>
      %select_n3A_208 = arith.select %eq3A_202, %broadcast_in_dim3A_207, %select_n3A_199 : vector<16xi1>, vector<16xf32>
      %eq3A_209 = arith.constant 4 : i32
      %eq3A_210 = vector.broadcast %eq3A_209 : i32 to vector<16xi32>
      %eq3A_211 = arith.cmpi eq, %iota3A, %eq3A_210 : vector<16xi32>
      %reduce_sum3A_212 = arith.constant true
      %reduce_sum3A_213 = vector.broadcast %reduce_sum3A_212 : i1 to vector<16xi1>
      %reduce_sum3A_214 = tpu.scan <sum>, %parallel_loop3A_108#0 masked %reduce_sum3A_213 : vector<16xf32>, vector<16xi1> -> vector<16xf32>
      %reduce_sum3A_215 = vector.extract %reduce_sum3A_214[15] : f32 from vector<16xf32>
      %broadcast_in_dim3A_216 = vector.broadcast %reduce_sum3A_215 : f32 to vector<16xf32>
      %select_n3A_217 = arith.select %eq3A_211, %broadcast_in_dim3A_216, %select_n3A_208 : vector<16xi1>, vector<16xf32>
      %eq3A_218 = arith.constant 5 : i32
      %eq3A_219 = vector.broadcast %eq3A_218 : i32 to vector<16xi32>
      %eq3A_220 = arith.cmpi eq, %iota3A, %eq3A_219 : vector<16xi32>
      %reduce_sum3A_221 = arith.constant true
      %reduce_sum3A_222 = vector.broadcast %reduce_sum3A_221 : i1 to vector<16xi1>
      %reduce_sum3A_223 = tpu.scan <sum>, %parallel_loop3A_108#1 masked %reduce_sum3A_222 : vector<16xf32>, vector<16xi1> -> vector<16xf32>
      %reduce_sum3A_224 = vector.extract %reduce_sum3A_223[15] : f32 from vector<16xf32>
      %broadcast_in_dim3A_225 = vector.broadcast %reduce_sum3A_224 : f32 to vector<16xf32>
      %select_n3A_226 = arith.select %eq3A_220, %broadcast_in_dim3A_225, %select_n3A_217 : vector<16xi1>, vector<16xf32>
      %eq3A_227 = arith.constant 6 : i32
      %eq3A_228 = vector.broadcast %eq3A_227 : i32 to vector<16xi32>
      %eq3A_229 = arith.cmpi eq, %iota3A, %eq3A_228 : vector<16xi32>
      %reduce_sum3A_230 = arith.constant true
      %reduce_sum3A_231 = vector.broadcast %reduce_sum3A_230 : i1 to vector<16xi1>
      %reduce_sum3A_232 = tpu.scan <sum>, %parallel_loop3A_108#2 masked %reduce_sum3A_231 : vector<16xf32>, vector<16xi1> -> vector<16xf32>
      %reduce_sum3A_233 = vector.extract %reduce_sum3A_232[15] : f32 from vector<16xf32>
      %broadcast_in_dim3A_234 = vector.broadcast %reduce_sum3A_233 : f32 to vector<16xf32>
      %select_n3A_235 = arith.select %eq3A_229, %broadcast_in_dim3A_234, %select_n3A_226 : vector<16xi1>, vector<16xf32>
      %eq3A_236 = arith.constant 7 : i32
      %eq3A_237 = vector.broadcast %eq3A_236 : i32 to vector<16xi32>
      %eq3A_238 = arith.cmpi eq, %iota3A, %eq3A_237 : vector<16xi32>
      %reduce_sum3A_239 = arith.constant true
      %reduce_sum3A_240 = vector.broadcast %reduce_sum3A_239 : i1 to vector<16xi1>
      %reduce_sum3A_241 = tpu.scan <sum>, %parallel_loop3A_108#3 masked %reduce_sum3A_240 : vector<16xf32>, vector<16xi1> -> vector<16xf32>
      %reduce_sum3A_242 = vector.extract %reduce_sum3A_241[15] : f32 from vector<16xf32>
      %broadcast_in_dim3A_243 = vector.broadcast %reduce_sum3A_242 : f32 to vector<16xf32>
      %select_n3A_244 = arith.select %eq3A_238, %broadcast_in_dim3A_243, %select_n3A_235 : vector<16xi1>, vector<16xf32>
      %eq3A_245 = arith.constant 8 : i32
      %eq3A_246 = vector.broadcast %eq3A_245 : i32 to vector<16xi32>
      %eq3A_247 = arith.cmpi eq, %iota3A, %eq3A_246 : vector<16xi32>
      %reduce_sum3A_248 = arith.constant true
      %reduce_sum3A_249 = vector.broadcast %reduce_sum3A_248 : i1 to vector<16xi1>
      %reduce_sum3A_250 = tpu.scan <sum>, %parallel_loop3A_140#0 masked %reduce_sum3A_249 : vector<16xf32>, vector<16xi1> -> vector<16xf32>
      %reduce_sum3A_251 = vector.extract %reduce_sum3A_250[15] : f32 from vector<16xf32>
      %broadcast_in_dim3A_252 = vector.broadcast %reduce_sum3A_251 : f32 to vector<16xf32>
      %select_n3A_253 = arith.select %eq3A_247, %broadcast_in_dim3A_252, %select_n3A_244 : vector<16xi1>, vector<16xf32>
      %eq3A_254 = arith.constant 9 : i32
      %eq3A_255 = vector.broadcast %eq3A_254 : i32 to vector<16xi32>
      %eq3A_256 = arith.cmpi eq, %iota3A, %eq3A_255 : vector<16xi32>
      %reduce_sum3A_257 = arith.constant true
      %reduce_sum3A_258 = vector.broadcast %reduce_sum3A_257 : i1 to vector<16xi1>
      %reduce_sum3A_259 = tpu.scan <sum>, %parallel_loop3A_140#1 masked %reduce_sum3A_258 : vector<16xf32>, vector<16xi1> -> vector<16xf32>
      %reduce_sum3A_260 = vector.extract %reduce_sum3A_259[15] : f32 from vector<16xf32>
      %broadcast_in_dim3A_261 = vector.broadcast %reduce_sum3A_260 : f32 to vector<16xf32>
      %select_n3A_262 = arith.select %eq3A_256, %broadcast_in_dim3A_261, %select_n3A_253 : vector<16xi1>, vector<16xf32>
      %eq3A_263 = arith.constant 10 : i32
      %eq3A_264 = vector.broadcast %eq3A_263 : i32 to vector<16xi32>
      %eq3A_265 = arith.cmpi eq, %iota3A, %eq3A_264 : vector<16xi32>
      %reduce_sum3A_266 = arith.constant true
      %reduce_sum3A_267 = vector.broadcast %reduce_sum3A_266 : i1 to vector<16xi1>
      %reduce_sum3A_268 = tpu.scan <sum>, %parallel_loop3A_140#2 masked %reduce_sum3A_267 : vector<16xf32>, vector<16xi1> -> vector<16xf32>
      %reduce_sum3A_269 = vector.extract %reduce_sum3A_268[15] : f32 from vector<16xf32>
      %broadcast_in_dim3A_270 = vector.broadcast %reduce_sum3A_269 : f32 to vector<16xf32>
      %select_n3A_271 = arith.select %eq3A_265, %broadcast_in_dim3A_270, %select_n3A_262 : vector<16xi1>, vector<16xf32>
      %eq3A_272 = arith.constant 11 : i32
      %eq3A_273 = vector.broadcast %eq3A_272 : i32 to vector<16xi32>
      %eq3A_274 = arith.cmpi eq, %iota3A, %eq3A_273 : vector<16xi32>
      %reduce_sum3A_275 = arith.constant true
      %reduce_sum3A_276 = vector.broadcast %reduce_sum3A_275 : i1 to vector<16xi1>
      %reduce_sum3A_277 = tpu.scan <sum>, %parallel_loop3A_140#3 masked %reduce_sum3A_276 : vector<16xf32>, vector<16xi1> -> vector<16xf32>
      %reduce_sum3A_278 = vector.extract %reduce_sum3A_277[15] : f32 from vector<16xf32>
      %broadcast_in_dim3A_279 = vector.broadcast %reduce_sum3A_278 : f32 to vector<16xf32>
      %select_n3A_280 = arith.select %eq3A_274, %broadcast_in_dim3A_279, %select_n3A_271 : vector<16xi1>, vector<16xf32>
      %eq3A_281 = arith.constant 12 : i32
      %eq3A_282 = vector.broadcast %eq3A_281 : i32 to vector<16xi32>
      %eq3A_283 = arith.cmpi eq, %iota3A, %eq3A_282 : vector<16xi32>
      %reduce_sum3A_284 = arith.constant true
      %reduce_sum3A_285 = vector.broadcast %reduce_sum3A_284 : i1 to vector<16xi1>
      %reduce_sum3A_286 = tpu.scan <sum>, %parallel_loop3A_172#0 masked %reduce_sum3A_285 : vector<16xf32>, vector<16xi1> -> vector<16xf32>
      %reduce_sum3A_287 = vector.extract %reduce_sum3A_286[15] : f32 from vector<16xf32>
      %broadcast_in_dim3A_288 = vector.broadcast %reduce_sum3A_287 : f32 to vector<16xf32>
      %select_n3A_289 = arith.select %eq3A_283, %broadcast_in_dim3A_288, %select_n3A_280 : vector<16xi1>, vector<16xf32>
      %eq3A_290 = arith.constant 13 : i32
      %eq3A_291 = vector.broadcast %eq3A_290 : i32 to vector<16xi32>
      %eq3A_292 = arith.cmpi eq, %iota3A, %eq3A_291 : vector<16xi32>
      %reduce_sum3A_293 = arith.constant true
      %reduce_sum3A_294 = vector.broadcast %reduce_sum3A_293 : i1 to vector<16xi1>
      %reduce_sum3A_295 = tpu.scan <sum>, %parallel_loop3A_172#1 masked %reduce_sum3A_294 : vector<16xf32>, vector<16xi1> -> vector<16xf32>
      %reduce_sum3A_296 = vector.extract %reduce_sum3A_295[15] : f32 from vector<16xf32>
      %broadcast_in_dim3A_297 = vector.broadcast %reduce_sum3A_296 : f32 to vector<16xf32>
      %select_n3A_298 = arith.select %eq3A_292, %broadcast_in_dim3A_297, %select_n3A_289 : vector<16xi1>, vector<16xf32>
      %eq3A_299 = arith.constant 14 : i32
      %eq3A_300 = vector.broadcast %eq3A_299 : i32 to vector<16xi32>
      %eq3A_301 = arith.cmpi eq, %iota3A, %eq3A_300 : vector<16xi32>
      %reduce_sum3A_302 = arith.constant true
      %reduce_sum3A_303 = vector.broadcast %reduce_sum3A_302 : i1 to vector<16xi1>
      %reduce_sum3A_304 = tpu.scan <sum>, %parallel_loop3A_172#2 masked %reduce_sum3A_303 : vector<16xf32>, vector<16xi1> -> vector<16xf32>
      %reduce_sum3A_305 = vector.extract %reduce_sum3A_304[15] : f32 from vector<16xf32>
      %broadcast_in_dim3A_306 = vector.broadcast %reduce_sum3A_305 : f32 to vector<16xf32>
      %select_n3A_307 = arith.select %eq3A_301, %broadcast_in_dim3A_306, %select_n3A_298 : vector<16xi1>, vector<16xf32>
      %eq3A_308 = arith.constant 15 : i32
      %eq3A_309 = vector.broadcast %eq3A_308 : i32 to vector<16xi32>
      %eq3A_310 = arith.cmpi eq, %iota3A, %eq3A_309 : vector<16xi32>
      %reduce_sum3A_311 = arith.constant true
      %reduce_sum3A_312 = vector.broadcast %reduce_sum3A_311 : i1 to vector<16xi1>
      %reduce_sum3A_313 = tpu.scan <sum>, %parallel_loop3A_172#3 masked %reduce_sum3A_312 : vector<16xf32>, vector<16xi1> -> vector<16xf32>
      %reduce_sum3A_314 = vector.extract %reduce_sum3A_313[15] : f32 from vector<16xf32>
      %broadcast_in_dim3A_315 = vector.broadcast %reduce_sum3A_314 : f32 to vector<16xf32>
      %select_n3A_316 = arith.select %eq3A_310, %broadcast_in_dim3A_315, %select_n3A_307 : vector<16xi1>, vector<16xf32>
      %mul3A_317 = arith.constant 16 : i32
      %mul3A_318 = arith.muli %while3A_47, %mul3A_317 : i32
      %swap3A = arith.index_cast %mul3A_318 : i32 to index
      %swap3A_319 = tpu.vector_load %arg7[%swap3A] {strides = array<i32>} : memref<128xf32, #tpu.memory_space<vmem>>, vector<16xf32>,
      tpu.vector_store %arg7[%swap3A], %select_n3A_316 {strides = array<i32>} : memref<128xf32, #tpu.memory_space<vmem>>, vector<16xf32>,
    }
    %lt3A_40 = arith.constant 26 : i32
    %lt3A_41 = arith.cmpi slt, %add3A, %lt3A_40 : i32
    %convert_element_type3A = arith.extui %lt3A_41 : i1 to i32
    %cond3A = arith.constant 0 : i32
    %cond3A_42 = arith.cmpi ne, %convert_element_type3A, %cond3A : i32
    scf.if %cond3A_42 {
      "tpu.region"() ({
        %run_scoped3A = tpu.sem_alloc : memref<!tpu.dma_semaphore, #tpu.memory_space<semaphore_mem>>
        %dma_start3A_47 = tpu.memref_slice %arg4[%mul3A_14] : memref<4000xf32, #tpu.memory_space<hbm>> -> memref<128xf32, #tpu.memory_space<hbm>>
        %dma_start3A_48 = tpu.memref_slice %arg4[%mul3A_14] : memref<4000xf32, #tpu.memory_space<hbm>> -> memref<128xf32, #tpu.memory_space<hbm>>
        tpu.enqueue_dma source(%arg7 : memref<128xf32, #tpu.memory_space<vmem>>) target(%dma_start3A_48 : memref<128xf32, #tpu.memory_space<hbm>>) target_semaphore(%run_scoped3A : memref<!tpu.dma_semaphore, #tpu.memory_space<semaphore_mem>>)
        %dma_wait3A = tpu.memref_slice %arg4[%mul3A_14] : memref<4000xf32, #tpu.memory_space<hbm>> -> memref<128xf32, #tpu.memory_space<hbm>>
        %dma_wait3A_49 = tpu.memref_slice %arg4[%mul3A_14] : memref<4000xf32, #tpu.memory_space<hbm>> -> memref<128xf32, #tpu.memory_space<hbm>>
        tpu.wait_dma2 semaphore(%run_scoped3A : memref<!tpu.dma_semaphore, #tpu.memory_space<semaphore_mem>>) src(%arg7 : memref<128xf32, #tpu.memory_space<vmem>>) dst(%dma_wait3A_49 : memref<128xf32, #tpu.memory_space<hbm>>)
        tpu.yield
      }) : () -> ()
    } else {
    }
    %ge3A = arith.constant 26 : i32
    %ge3A_43 = arith.cmpi sge, %add3A, %ge3A : i32
    %convert_element_type3A_44 = arith.extui %ge3A_43 : i1 to i32
    %cond3A_45 = arith.constant 0 : i32
    %cond3A_46 = arith.cmpi ne, %convert_element_type3A_44, %cond3A_45 : i32
    scf.if %cond3A_46 {
      "tpu.region"() ({
        %run_scoped3A = tpu.sem_alloc : memref<!tpu.dma_semaphore, #tpu.memory_space<semaphore_mem>>
        %dma_start3A_47 = arith.constant 0 : i32
        %dma_start3A_48 = tpu.memref_slice %arg7[%dma_start3A_47] : memref<128xf32, #tpu.memory_space<vmem>> -> memref<112xf32, #tpu.memory_space<vmem>>
        %dma_start3A_49 = tpu.memref_slice %arg4[%mul3A_14] : memref<4000xf32, #tpu.memory_space<hbm>> -> memref<112xf32, #tpu.memory_space<hbm>>
        %dma_start3A_50 = tpu.memref_slice %arg4[%mul3A_14] : memref<4000xf32, #tpu.memory_space<hbm>> -> memref<112xf32, #tpu.memory_space<hbm>>
        %dma_start3A_51 = arith.constant 0 : i32
        %dma_start3A_52 = tpu.memref_slice %arg7[%dma_start3A_51] : memref<128xf32, #tpu.memory_space<vmem>> -> memref<112xf32, #tpu.memory_space<vmem>>
        tpu.enqueue_dma source(%dma_start3A_52 : memref<112xf32, #tpu.memory_space<vmem>>) target(%dma_start3A_50 : memref<112xf32, #tpu.memory_space<hbm>>) target_semaphore(%run_scoped3A : memref<!tpu.dma_semaphore, #tpu.memory_space<semaphore_mem>>)
        %dma_wait3A = arith.constant 0 : i32
        %dma_wait3A_53 = tpu.memref_slice %arg7[%dma_wait3A] : memref<128xf32, #tpu.memory_space<vmem>> -> memref<112xf32, #tpu.memory_space<vmem>>
        %dma_wait3A_54 = tpu.memref_slice %arg4[%mul3A_14] : memref<4000xf32, #tpu.memory_space<hbm>> -> memref<112xf32, #tpu.memory_space<hbm>>
        %dma_wait3A_55 = tpu.memref_slice %arg4[%mul3A_14] : memref<4000xf32, #tpu.memory_space<hbm>> -> memref<112xf32, #tpu.memory_space<hbm>>
        %dma_wait3A_56 = arith.constant 0 : i32
        %dma_wait3A_57 = tpu.memref_slice %arg7[%dma_wait3A_56] : memref<128xf32, #tpu.memory_space<vmem>> -> memref<112xf32, #tpu.memory_space<vmem>>
        tpu.wait_dma2 semaphore(%run_scoped3A : memref<!tpu.dma_semaphore, #tpu.memory_space<semaphore_mem>>) src(%dma_wait3A_57 : memref<112xf32, #tpu.memory_space<vmem>>) dst(%dma_wait3A_55 : memref<112xf32, #tpu.memory_space<hbm>>)
        tpu.yield
      }) : () -> ()
    } else {
    }
    return
  }
}

module attributes {stable_mosaic.version = 14 : i64} {
  func.func @_tc_matvec_kernel(%arg0: i32, %arg1: memref<400x10000xf32, #tpu.memory_space<vmem>>, %arg2: memref<1x10000xf32, #tpu.memory_space<vmem>>, %arg3: memref<400x1xf32, #tpu.memory_space<vmem>>) attributes {dimension_semantics = [#tpu.dimension_semantics<arbitrary>], iteration_bounds = array<i64: 15>, scalar_prefetch = 0 : i64, scratch_operands = 0 : i64, tpu.core_type = #tpu.core_type<tc>, window_params = [{transform_indices = @transform_0, window_bounds = array<i64: 400, 10000>}, {pipeline_mode = #tpu.pipeline_mode<synchronous>, transform_indices = @transform_1, window_bounds = array<i64: 1, 10000>}, {transform_indices = @transform_2, window_bounds = array<i64: 400, 1>}]} {
    %get3A = arith.constant 0 : index
    %get3A_0 = arith.constant 0 : index
    %get3A_1 = vector.load %arg1[%get3A, %get3A_0] : memref<400x10000xf32, #tpu.memory_space<vmem>>, vector<400x10000xf32>
    %get3A_2 = arith.constant 0 : index
    %get3A_3 = arith.constant 0 : index
    %get3A_4 = vector.load %arg2[%get3A_2, %get3A_3] : memref<1x10000xf32, #tpu.memory_space<vmem>>, vector<1x10000xf32>
    %mul3A = vector.broadcast %get3A_4 : vector<1x10000xf32> to vector<400x10000xf32>
    %mul3A_5 = arith.mulf %get3A_1, %mul3A : vector<400x10000xf32>
    %reduce_sum3A = arith.constant dense<0.000000e+00> : vector<400xf32>
    %reduce_sum3A_6 = vector.multi_reduction <add>, %mul3A_5, %reduce_sum3A [1] : vector<400x10000xf32> to vector<400xf32>
    %broadcast_in_dim3A = vector.shape_cast %reduce_sum3A_6 : vector<400xf32> to vector<400x1xf32>
    %swap3A = arith.constant 0 : index
    %swap3A_7 = arith.constant 0 : index
    %swap3A_8 = vector.load %arg3[%swap3A, %swap3A_7] : memref<400x1xf32, #tpu.memory_space<vmem>>, vector<400x1xf32>
    tpu.vector_store %arg3[%swap3A, %swap3A_7], %broadcast_in_dim3A {strides = array<i32>} : memref<400x1xf32, #tpu.memory_space<vmem>>, vector<400x1xf32>,
    return
  }
  func.func @transform_0(%arg0: i32) -> (i32, i32) {
    %c0_i32 = arith.constant 0 : i32
    %c0_i32_0 = arith.constant 0 : i32
    return %arg0, %c0_i32 : i32, i32
  }
  func.func @transform_1(%arg0: i32) -> (i32, i32) {
    %c0_i32 = arith.constant 0 : i32
    %c0_i32_0 = arith.constant 0 : i32
    %c0_i32_1 = arith.constant 0 : i32
    return %c0_i32, %c0_i32_0 : i32, i32
  }
  func.func @transform_2(%arg0: i32) -> (i32, i32) {
    %c0_i32 = arith.constant 0 : i32
    %c0_i32_0 = arith.constant 0 : i32
    return %arg0, %c0_i32 : i32, i32
  }
}

module attributes {stable_mosaic.version = 14 : i64} {
  func.func @_v_row_kernel(%arg0: memref<10000x128xf32, #tpu.memory_space<vmem>>, %arg1: memref<7x128xf32, #tpu.memory_space<vmem>>, %arg2: memref<1x7xf32, #tpu.memory_space<vmem>>, %arg3: memref<1x10000xf32, #tpu.memory_space<vmem>>) attributes {dimension_semantics = [], scalar_prefetch = 0 : i64, scratch_operands = 0 : i64, tpu.core_type = #tpu.core_type<tc>} {
    %get3A = arith.constant 0 : index
    %get3A_0 = arith.constant 0 : index
    %get3A_1 = vector.load %arg1[%get3A, %get3A_0] : memref<7x128xf32, #tpu.memory_space<vmem>>, vector<7x128xf32>
    %reduce_sum3A = arith.constant dense<0.000000e+00> : vector<128xf32>
    %reduce_sum3A_2 = vector.multi_reduction <add>, %get3A_1, %reduce_sum3A [0] : vector<7x128xf32> to vector<128xf32>
    %broadcast_in_dim3A = vector.shape_cast %reduce_sum3A_2 : vector<128xf32> to vector<1x128xf32>
    %div3A = arith.constant 7.000000e+00 : f32
    %div3A_3 = vector.broadcast %div3A : f32 to vector<1x128xf32>
    %div3A_4 = arith.divf %broadcast_in_dim3A, %div3A_3 : vector<1x128xf32>
    %get3A_5 = arith.constant 0 : index
    %get3A_6 = arith.constant 0 : index
    %get3A_7 = vector.load %arg2[%get3A_5, %get3A_6] : memref<1x7xf32, #tpu.memory_space<vmem>>, vector<1x7xf32>
    %reduce_sum3A_8 = vector.shape_cast %get3A_7 : vector<1x7xf32> to vector<1x1x7xf32>
    %reduce_sum3A_9 = arith.constant dense<0.000000e+00> : vector<1xf32>
    %reduce_sum3A_10 = vector.multi_reduction <add>, %reduce_sum3A_8, %reduce_sum3A_9 [1, 2] : vector<1x1x7xf32> to vector<1xf32>
    %reduce_sum3A_11 = vector.shape_cast %reduce_sum3A_10 : vector<1xf32> to vector<1x1x1xf32>
    %reduce_sum3A_12 = vector.extract %reduce_sum3A_11[0, 0, 0] : f32 from vector<1x1x1xf32>
    %div3A_13 = arith.constant 7.000000e+00 : f32
    %div3A_14 = arith.divf %reduce_sum3A_12, %div3A_13 : f32
    %get3A_15 = arith.constant 0 : index
    %get3A_16 = arith.constant 0 : index
    %get3A_17 = vector.load %arg0[%get3A_15, %get3A_16] : memref<10000x128xf32, #tpu.memory_space<vmem>>, vector<10000x128xf32>
    %dot_general3A = arith.constant dense<0.000000e+00> : vector<1x10000xf32>
    %dot_general3A_18 = tpu.matmul %div3A_4, %get3A_17, %dot_general3A {dimension_numbers = #tpu.dot_dimension_numbers<[1], [1], [0], [0], [0, 0, 1, 0], [], []>, precision = #tpu.contract_precision<fp32>, transpose_lhs_hint = false} : vector<1x128xf32>, vector<10000x128xf32>, vector<1x10000xf32> -> vector<1x10000xf32>
    %add3A = vector.broadcast %div3A_14 : f32 to vector<1x10000xf32>
    %add3A_19 = arith.addf %dot_general3A_18, %add3A : vector<1x10000xf32>
    %swap3A = arith.constant 0 : index
    %swap3A_20 = arith.constant 0 : index
    %swap3A_21 = vector.load %arg3[%swap3A, %swap3A_20] : memref<1x10000xf32, #tpu.memory_space<vmem>>, vector<1x10000xf32>
    tpu.vector_store %arg3[%swap3A, %swap3A_20], %add3A_19 {strides = array<i32>} : memref<1x10000xf32, #tpu.memory_space<vmem>>, vector<1x10000xf32>,
    return
  }
}

</mosaic_0001>

<sc_bundles>
// kernel: kernel.5.cloned.1.call-start
scs
__scs_entry_jumppad:
0x0: {  	(pc) =	sbr.rel $0x88, $3  }
0x1: {  	(tag) =	ssettag $0x0;
	lr =	simm.s32 $0x1  }
0x2: {  	[smem:$0x3F9D] =	sst lr;
	_ =	strace $0xD0000000  }
0x3: {  	_ = 	snop  }
0x4: {  	_ = 	snop  }
0x5: {  	_ = 	snop  }
0x6: {  	_ = 	snop  }
0x7: {  	_ = 	snop  }
__scs_overlays_trampoline_lowered:
0x8: {  	[smem:$0x3FAC] =	sst s0  }
0x9: {  	[smem:$0x3FAD] =	sst s1  }
0xa: {  	[smem:$0x3FAE] =	sst s2  }
0xb: {  	[smem:$0x3FAF] =	sst s3  }
0xc: {  	[smem:$0x3FB0] =	sst s4  }
0xd: {  	[smem:$0x3FB1] =	sst s5  }
0xe: {  	[smem:$0x3FB2] =	sst s6  }
0xf: {  	[smem:$0x3FB3] =	sst s7  }
0x10: {  	[smem:$0x3FB4] =	sst s8  }
0x11: {  	[smem:$0x3FB5] =	sst s9;
	s0 =	simm.s32 @!p0 $0x0  }
0x12: {  	s1 =	sld [smem:$0x3F9B];
	s0 =	simm.s32 @p0 $0x1  }
0x13: {  	[smem:$0x3FB6] =	sst s0;
	s0 =	simm.s32 @!p1 $0x0  }
0x14: {  	s2 =	sld [smem:$0x3F9A];
	s0 =	simm.s32 @p1 $0x1  }
0x15: {  	[smem:$0x3FB7] =	sst s0;
	s0 =	simm.s32 @!p2 $0x0  }
0x16: {  	s3 =	sld [smem:$0x3FDB];
	s0 =	simm.s32 @p2 $0x1  }
0x17: {  	s4 =	simm.s32 $0x1BF5;
	[smem:$0x3FB9] =	sst s0  }
0x18: {  	s0 =	sld [smem:$0x3F9C];
	_ =	swait.ge [sflag:s4], $0x0  }
0x19: {  	s7 =	sld [smem:$0x3F9D]  }
0x1a: {  	s8 =	sadd.s32 $0xFFFFE003, lr  }
0x1b: {  	s9 =	sadd.s32 $0xFFFFFEF7, lr;
	s5 =	simm.s32 $0xFFFFFFFF;
	p2 =	slt.u32 s8, $0xFFFFF086  }
0x1c: {  	p1 =	slt.u32 s9, $0xF7A;
	s5 =	simm.s32 @!p2 $0x0  }
0x1d: {  	s5 =	simm.s32 @p1 $0x1;
	p0 =	seq.s32 s7, s2  }
0x1e: {  	s7 =	smul.u32 @!p0 $0xF7A, s2;
	p2 =	seq.s32 @!p0 s5, $0x0  }
0x1f: {  	s9 =	smul.u32 $0xF7A, s1;
	s8 =	simm.s32 @!p0 $0x1BF5;
	p2 =	por !p2, p0  }
0x20: {  	[sflag:s8] =	ssyncset.s32 @!p0 $0xFFFFF086;
	s6 =	sadd.s32 @!p0 s3, s7;
	s7 =	simm.s32 @!p0 $0x108  }
0x21: {  	s3 =	sadd.s32 s3, s9;
	s6 =	sadd.s32 @!p0 $0x88, s6;
	s7 =	simm.s32 @p2 $0x1082  }
0x22: {  	[simem:s7], [sflag:s8] =	dma.local @!p0 [hbm:s6], $0xF7A  }
0x23: {  	s9 =	sor.u32 $0xD0000000, s2;
	s6 =	simm.s32 $0x108;
	_ =	swait.ge @!p0 [sflag:s8], $0x0  }
0x24: {  	s3 =	sadd.s32 $0x88, s3;
	s6 =	simm.s32 @!p1 $0x1082;
	[sflag:s4] =	ssyncset.s32 $0xFFFFF086  }
0x25: {  	[simem:s6], [sflag:s4] =	dma.local [hbm:s3], $0xF7A  }
0x26: {  	[smem:$0x3F9D] =	sst s1;
	(tag) =	ssettag s2;
	_ =	strace s9  }
0x27: {  	s1 =	sld [smem:$0x3FAD]  }
0x28: {  	s2 =	sld [smem:$0x3FAE]  }
0x29: {  	s4 =	sld [smem:$0x3FB0]  }
0x2a: {  	p0 =	seq.s32 s5, $0x0;
	s5 =	sld [smem:$0x3FB1]  }
0x2b: {  	s6 =	sld [smem:$0x3FB2]  }
0x2c: {  	s7 =	sld [smem:$0x3FB3]  }
0x2d: {  	s3 =	simm.s32 $0x108;
	s8 =	sld [smem:$0x3FB4]  }
0x2e: {  	s3 =	simm.s32 @!p0 $0x1082;
	s9 =	sld [smem:$0x3FB5]  }
0x2f: {  	lr =	sadd.s32 s0, s3;
	s0 =	sld [smem:$0x3FAC]  }
0x30: {  	s3 =	sld [smem:$0x3FAF]  }
0x31: {  	[smem:$0x3FB8] =	sst s10  }
0x32: {  	s10 =	sld [smem:$0x3FB6];
	_ =	sdelay $0x3  }
0x33: {  	p0 =	seq.s32 s10, $0x1;
	s10 =	sld [smem:$0x3FB8];
	_ =	sdelay $0x3  }
0x34: {  	[smem:$0x3FB8] =	sst s10  }
0x35: {  	s10 =	sld [smem:$0x3FB7];
	_ =	sdelay $0x3  }
0x36: {  	p1 =	seq.s32 s10, $0x1;
	s10 =	sld [smem:$0x3FB8];
	_ =	sdelay $0x3  }
0x37: {  	[smem:$0x3FB8] =	sst s10  }
0x38: {  	s10 =	sld [smem:$0x3FB9]  }
0x39: {  	_ = 	snop;
	(pc) =	sbr.ind lr, $3  }
0x3a: {  	_ = 	snop  }
0x3b: {  	_ = 	snop  }
0x3c: {  	p2 =	seq.s32 s10, $0x1;
	s10 =	sld [smem:$0x3FB8]  }
0x3d: {  	_ =	shalt  }
0x3e: {  	_ =	shalt  }
0x3f: {  	_ =	shalt  }
0x40: {  	_ =	shalt  }
0x41: {  	_ =	shalt  }
0x42: {  	_ =	shalt  }
0x43: {  	_ =	shalt  }
0x44: {  	_ =	shalt  }
0x45: {  	_ =	shalt  }
0x46: {  	_ =	shalt  }
0x47: {  	_ =	shalt  }
0x48: {  	_ =	shalt  }
0x49: {  	_ =	shalt  }
0x4a: {  	_ =	shalt  }
0x4b: {  	_ =	shalt  }
0x4c: {  	_ =	shalt  }
0x4d: {  	_ =	shalt  }
0x4e: {  	_ =	shalt  }
0x4f: {  	_ =	shalt  }
0x50: {  	_ =	shalt  }
0x51: {  	_ =	shalt  }
0x52: {  	_ =	shalt  }
0x53: {  	_ =	shalt  }
0x54: {  	_ =	shalt  }
0x55: {  	_ =	shalt  }
0x56: {  	_ =	shalt  }
0x57: {  	_ =	shalt  }
0x58: {  	_ =	shalt  }
0x59: {  	_ =	shalt  }
0x5a: {  	_ =	shalt  }
0x5b: {  	_ =	shalt  }
0x5c: {  	_ =	shalt  }
0x5d: {  	_ =	shalt  }
0x5e: {  	_ =	shalt  }
0x5f: {  	_ =	shalt  }
0x60: {  	_ =	shalt  }
0x61: {  	_ =	shalt  }
0x62: {  	_ =	shalt  }
0x63: {  	_ =	shalt  }
0x64: {  	_ =	shalt  }
0x65: {  	_ =	shalt  }
0x66: {  	_ =	shalt  }
0x67: {  	_ =	shalt  }
0x68: {  	_ =	shalt  }
0x69: {  	_ =	shalt  }
0x6a: {  	_ =	shalt  }
0x6b: {  	_ =	shalt  }
0x6c: {  	_ =	shalt  }
0x6d: {  	_ =	shalt  }
0x6e: {  	_ =	shalt  }
0x6f: {  	_ =	shalt  }
0x70: {  	_ =	shalt  }
0x71: {  	_ =	shalt  }
0x72: {  	_ =	shalt  }
0x73: {  	_ =	shalt  }
0x74: {  	_ =	shalt  }
0x75: {  	_ =	shalt  }
0x76: {  	_ =	shalt  }
0x77: {  	_ =	shalt  }
0x78: {  	_ =	shalt  }
0x79: {  	_ =	shalt  }
0x7a: {  	_ =	shalt  }
0x7b: {  	_ =	shalt  }
0x7c: {  	_ =	shalt  }
0x7d: {  	_ =	shalt  }
0x7e: {  	_ =	shalt  }
0x7f: {  	_ =	shalt  }
0x80: {  	_ =	shalt  }
0x81: {  	_ =	shalt  }
0x82: {  	_ =	shalt  }
0x83: {  	_ =	shalt  }
0x84: {  	_ =	shalt  }
0x85: {  	_ =	shalt  }
0x86: {  	_ =	shalt  }
0x87: {  	_ =	shalt  }
.Lfunc_end0:
.L_simem_size_0:
called_computation_lowered:
.L_overlay_start_0:
0x88: {  	s2 =	sld [smem:$0x3FD9]  }
0x89: {  	s3 =	sld [smem:$0x3FFE];
	_ =	sdelay $0x1  }
0x8a: {  	s1 =	srdreg.scid  }
0x8b: {  	s0 =	sand.u32 $0x1, s1  }
0x8c: {  	s17 =	sshll.u32 s0, $0xA;
	s2 =	sadd.s32 s3, s2  }
0x8d: {  	s2 =	sadd.s32 s2, s17  }
0x8e: {  	[smem:$0x3FC4] =	sst s2  }
0x8f: {  	_ = 	snop  }
0x90: {  	s2 =	sld [smem:$0x3FC8]  }
0x91: {  	s18 =	sld [smem:$0x3FD0];
	(tm) =	ssettm $0x1  }
0x92: {  	s4 =	sld [smem:$0x3FFB];
	_ =	sdelay $0x3  }
0x93: {  	_ =	strace s4  }
0x94: {  	s4 =	sld [smem:$0x3FFC];
	_ =	sdelay $0x3  }
0x95: {  	_ =	strace s4  }
0x96: {  	s4 =	sld [smem:$0x3FFD];
	_ =	sdelay $0x3  }
0x97: {  	_ =	strace s4  }
0x98: {  	_ =	strace $0x8FFFFFFF  }
0x99: {  	s19 =	sld [smem:$0x3FDB];
	_ =	sdelay $0x1  }
0x9a: {  	s5 =	simm.s32 $_scs_section_size  }
0x9b: {  	s6 =	simm.s32 $_size__tile_overlayer_lowered;
	s7 =	simm.s32 $_tile_overlayer_lowered  }
0x9c: {  	s22 =	simm.s32 $0x1BFF;
	s21 =	sshll.u32 s7, $0x1;
	s4 =	sadd.s32 s5, s19  }
0x9d: {  	s8 =	simm.s32 $0x0;
	s20 =	sshll.u32 s6, $0x1;
	s6 =	sadd.s32 s21, s4  }
0x9e: {  	[timem:s8], [sflag:s22] =	dma.local [hbm:s6], s20  }
0x9f: {  	_ =	swait.ge [sflag:s22], s20  }
0xa0: {  	s5 =	ssub.s32 $0x0, s20;
	[sflag:s22] =	ssyncset.done $0x0  }
0xa1: {  	[sflag:s22] =	ssyncadd.s32 s5;
	_ =	sdelay $0x1  }
0xa2: {  	s23 =	simm.s32 $0x1B8B  }
0xa3: {  	_ =	swait.ge [sflag:s23], $0x1  }
0xa4: {  	[sflag:s23] =	ssyncset.done $0x0  }
0xa5: {  	s25 =	simm.s32 $0x1B8E;
	s24 =	sld [smem:$0x3FFE];
	[sflag:s23] =	ssyncadd.s32 $0xFFFFFFFF  }
0xa6: {  	s26 =	simm.s32 $execute0_lowered;
	[smem:$0x3FD2] =	sst s25  }
0xa7: {  	s6 =	sshll.u32 s26, $0x1;
	_ =	strace $0x80000046;
	[dreg:$0x1] =	wrdreg $0xFFFFFFFF  }
0xa8: {  	s28 =	simm.s32 $_size_execute0_lowered;
	s4 =	sadd.s32 s4, s6;
	[dreg:$0x0] =	wrdreg $0x0  }
0xa9: {  	s6 =	sshll.u32 s28, $0x1;
	[dreg:$0x2] =	wrdreg s4  }
0xaa: {  	[dreg:$0x3] =	wrdreg s6  }
0xab: {  	[dreg:$0x4] =	wrdreg $0xC0  }
0xac: {  	_ =	task [dreg:s8], $0x5FFFF  }
0xad: {  	[dreg:$0x1] =	wrdreg $0xFFFFFFFF  }
0xae: {  	[dreg:$0x0] =	wrdreg $0x60  }
0xaf: {  	[dreg:$0x2] =	wrdreg s2  }
0xb0: {  	[dreg:$0x3] =	wrdreg s18  }
0xb1: {  	[dreg:$0x4] =	wrdreg s24  }
0xb2: {  	[dreg:$0x5] =	wrdreg $0x9  }
0xb3: {  	_ =	task.clear_ibuf [dreg:s8], $0x6FFFF;
	_ =	strace $0x90000046  }
0xb4: {  	s29 =	simm.s32 $0x9;
	_ =	strace $0x80000048  }
0xb5: {  	_ =	swait.ge [sflag:s29], $0x1  }
0xb6: {  	[sflag:s29] =	ssyncadd.s32 $0xFFFFFFFF  }
0xb7: {  	_ =	strace $0x90000048  }
0xb8: {  	_ =	sfence  }
0xb9: {  	s30 =	sld [smem:$0x0];
	_ =	sdelay $0x2  }
0xba: {  	s31 =	sshll.u32 s1, $0xD;
	s1 =	sshrl.u32 s1, $0x2  }
0xbb: {  	s3 =	sand.u32 $0x4000, s31;
	s1 =	sadd.s32 s1, s30  }
0xbc: {  	s0 =	sor.u32 s3, s0;
	s1 =	sshll.u32 s1, $0x11  }
0xbd: {  	s0 =	sor.u32 s1, s0  }
0xbe: {  	s0 =	sadd.s32 $0x8F2B, s0  }
0xbf: {  	[sflag:s0] =	ssyncadd.remote.s32 $0x1  }
0xc0: {  	_ =	sfence.sel $0xFFFF  }
0xc1: {  	[dreg:$0x0] =	wrdreg $0xFFFFFFFF;
	(pc) =	sbr.abs _section_cstart, $3  }
0xc2: {  	[dreg:$0x1] =	wrdreg $0xFFFFFFFF  }
0xc3: {  	_ =	task.clear_ibuf [dreg:s8], $0x2FFFF;
	_ =	strace $0x9FFFFFFF  }
0xc4: {  	(tm) =	ssettm $0x7FFFFFFF  }
0xc5: {  	_ =	shalt  }
tec
execute0_lowered:
.L_overlay_start_1:
0x0: {  	(tag) =	ssettag $0x1  }
0x1: {  	s2 =	srdreg.scid;
	s1 =	rddreg [dreg:$0x0]  }
0x2: {  	s0 =	stileid.u32;
	s3 =	rddreg [dreg:$0x1]  }
0x3: {  	s7 =	rddreg [dreg:$0x2];
	s4 =	simm.s32 $0x0;
	s13 =	simm.s32 $0x200  }
0x4: {  	s14 =	simm.s32 $0x400;
	s5 =	sand.u32 $0x1, s2;
	s31 =	sshll.u32 s0, $0x1  }
0x5: {  	s15 =	simm.s32 $0x2780;
	s16 =	simm.s32 $0x1;
	s6 =	sor.u32 s5, s31  }
0x6: {  	s17 =	simm.s32 $0x2;
	s18 =	simm.s32 $0x0;
	s8 =	smul.u32 $0x7, s6  }
0x7: {  	s2 =	rddreg [dreg:$0x3];
	s10 =	ssub.s32 $0x2, s5;
	s6 =	smin.u32 s6, $0x1A  }
0x8: {  	[smem:$0x7FF] =	sst s4;
	s11 =	sshrl.u32 s10, $0x1;
	s6 =	sadd.s32 s6, s8  }
0x9: {  	p0 =	slt.u32 s0, $0xD;
	s11 =	ssub.s32 s10, s11;
	s8 =	sshll.u32 s6, $0x4  }
0xa: {  	vm0 =	vmmov $0x1;
	vm1 =	vmmov $0x3;
	vm2 =	vmmov $0x7;
	_ =	strace $0x80000047;
	s11 =	smax.u32 s11, $0x1;
	s5 =	sadd.s32 $0x1770, s8  }
0xb: {  	vm3 =	vmmov $0xf;
	vm4 =	vmmov $0x1f;
	vm5 =	vmmov $0x3f;
	s9 =	sshll.u32 s6, $0x1;
	s6 =	simm.s32 $0x8;
	s8 =	sshrl.u32 s5, $0x3  }
0xc: {  	vm6 =	vmmov $0x7f;
	vm7 =	vmmov $0xff;
	vm8 =	vmmov $0x1ff;
	s6 =	simm.s32 @!p0 $0x7;
	s12 =	sadd.s32 s9, s7;
	s8 =	smul.u32 $0x2780, s8  }
0xd: {  	vm9 =	vmmov $0x3ff;
	vm10 =	vmmov $0x7ff;
	vm11 =	vmmov $0xfff;
	s9 =	sadd.s32 $0x40, s1;
	p0 =	sgt.u32 s0, $0xC;
	s7 =	sshll.u32 s6, $0x2  }
0xe: {  	vm12 =	vmmov $0x1fff;
	vm13 =	vmmov $0x3fff;
	vm14 =	vmmov $0x7fff;
	s10 =	sadd.s32 $0xA00, s12;
	s12 =	simm.s32 $0x3;
	s8 =	sadd.s32 s1, s8  }
.LBB2_1:
0xf: {  	[tilespmem:s4], [sflag:$0x3] =	stream.linear.gather [hbm4b:s3+s4], $0x2780, $0x38;
	[tilespmem:$0x16400] =	vst v63  }
0x10: {  	_ =	swait.ge [sflag:s12], $0x2780  }
0x11: {  	[sflag:s12] =	ssyncset.done $0x0  }
0x12: {  	s19 =	simm.s32 $0x0;
	[sflag:s12] =	ssyncadd.s32 $0xFFFFD880  }
0x13: {  	[tilespmem:s15], [sflag:$0x1] =	stream.strided.gather [hbm4b:s8+s13], $0x9E00, s14, s13, $0x38;
	[tilespmem:$0x16400] =	vst v63  }
.LBB2_2:
0x14: {  	s20 =	sshll.u32 s19, $0x2  }
0x15: {  	s21 =	sor.u32 $0x1, s20  }
0x16: {  	p1 =	sge.u32 s21, s7  }
0x17: {  	s21 =	sshll.u32 @!p1 s19, $0x4  }
0x18: {  	s21 =	sadd.s32 @!p1 s5, s21  }
0x19: {  	_ =	swait.ge [sflag:s16], $0x9E00;
	s21 =	sshrl.u32 @!p1 s21, $0x3  }
0x1a: {  	[sflag:s16] =	ssyncset.done $0x0;
	s21 =	smul.u32 @!p1 $0x2780, s21  }
0x1b: {  	s31 =	simm.s32 $0x40;
	[sflag:s16] =	ssyncadd.s32 $0xFFFF6200;
	s22 =	simm.s32 @!p1 $0x200  }
0x1c: {  	s23 =	simm.s32 @!p1 $0x400;
	s24 =	simm.s32 @!p1 $0xC580;
	s21 =	sadd.s32 @!p1 s21, s9  }
0x1d: {  	[tilespmem:s24], [sflag:$0x2] =	stream.strided.gather @!p1 [hbm4b:s21+s22], $0x9E00, s23, s22, $0x38;
	[tilespmem:$0x16400] =	vst v63  }
0x1e: {  	s21 =	simm.s32 $0x2880;
	v0 =	vld [tilespmem:s31+$0x30]  }
0x1f: {  	v3 =	vld [tilespmem:s21+$0xFFFFFF70]  }
0x20: {  	v4 =	vld [tilespmem:s21+$0xFFFFFFF0]  }
0x21: {  	v1 =	vld [tilespmem:s31+$0x20]  }
0x22: {  	v5 =	vld [tilespmem:s21+$0xFFFFFF60]  }
0x23: {  	v6 =	vld [tilespmem:s21+$0xFFFFFFE0]  }
0x24: {  	v2 =	vld [tilespmem:s31+$0x10]  }
0x25: {  	v10 =	vld [tilespmem:s21+$0xFFFFFF50]  }
0x26: {  	v11 =	vld [tilespmem:s21+$0xFFFFFFD0]  }
0x27: {  	v14 =	vld [tilespmem:s31+$0x0]  }
0x28: {  	v12 =	vld [tilespmem:s21+$0xFFFFFF40]  }
0x29: {  	v13 =	vld [tilespmem:s21+$0xFFFFFFC0]  }
0x2a: {  	v16 =	vld [tilespmem:s31+$0xFFFFFFF0]  }
0x2b: {  	v15 =	vld [tilespmem:s21+$0xFFFFFF30]  }
0x2c: {  	v17 =	vld [tilespmem:s21+$0xFFFFFFB0]  }
0x2d: {  	v18 =	vld [tilespmem:s31+$0xFFFFFFE0]  }
0x2e: {  	v19 =	vld [tilespmem:s21+$0xFFFFFF20]  }
0x2f: {  	v20 =	vld [tilespmem:s21+$0xFFFFFFA0]  }
0x30: {  	v21 =	vld [tilespmem:s31+$0xFFFFFFD0]  }
0x31: {  	v22 =	vld [tilespmem:s21+$0xFFFFFF10]  }
0x32: {  	v23 =	vld [tilespmem:s21+$0xFFFFFF90]  }
0x33: {  	v24 =	vld [tilespmem:s31+$0xFFFFFFC0]  }
0x34: {  	v25 =	vld [tilespmem:s21+$0xFFFFFF00];
	v7 =	vmul.f32 v3, v0;
	v3 =	vmul.f32 v4, v0  }
0x35: {  	v4 =	vld [tilespmem:s21+$0xFFFFFF80];
	v9 =	vmul.f32 v5, v1;
	v8 =	vmul.f32 v6, v1  }
0x36: {  	v5 =	vld [tilespmem:s21+$0x0];
	v10 =	vmul.f32 v10, v2;
	v11 =	vmul.f32 v11, v2  }
0x37: {  	v6 =	vld [tilespmem:s21+$0x80];
	v26 =	vmul.f32 v12, v14;
	v27 =	vmul.f32 v13, v14  }
0x38: {  	v12 =	vld [tilespmem:s21+$0x10];
	v13 =	vmul.f32 v15, v16;
	v17 =	vmul.f32 v17, v16  }
0x39: {  	v15 =	vld [tilespmem:s21+$0x90];
	v19 =	vmul.f32 v19, v18;
	v20 =	vmul.f32 v20, v18  }
0x3a: {  	v28 =	vld [tilespmem:s21+$0x20];
	v22 =	vmul.f32 v22, v21;
	v23 =	vmul.f32 v23, v21  }
0x3b: {  	v29 =	vld [tilespmem:s21+$0xA0];
	v25 =	vmul.f32 v25, v24;
	v4 =	vmul.f32 v4, v24  }
0x3c: {  	v30 =	vimm.f32 $0.0e+00;
	v62 =	vld [tilespmem:s21+$0x30];
	v5 =	vmul.f32 v5, v24;
	v6 =	vmul.f32 v6, v24  }
0x3d: {  	v31 =	vld [tilespmem:s21+$0xB0];
	v25 =	vadd.f32 v25, v30;
	v12 =	vmul.f32 v12, v21;
	v4 =	vadd.f32 v4, v30  }
0x3e: {  	v63 =	vld [tilespmem:s21+$0xC0];
	v15 =	vmul.f32 v15, v21;
	v5 =	vadd.f32 v5, v30;
	v6 =	vadd.f32 v6, v30  }
0x3f: {  	v22 =	vadd.f32 v22, v25;
	v21 =	vld [tilespmem:s21+$0x40];
	v4 =	vadd.f32 v23, v4;
	v23 =	vmul.f32 v28, v18  }
0x40: {  	v5 =	vadd.f32 v12, v5;
	v6 =	vadd.f32 v15, v6;
	v12 =	vmul.f32 v29, v18;
	v18 =	vld [tilespmem:s21+$0x50]  }
0x41: {  	v19 =	vadd.f32 v19, v22;
	v15 =	vld [tilespmem:s21+$0xD0];
	v4 =	vadd.f32 v20, v4;
	v20 =	vmul.f32 v62, v16  }
0x42: {  	v5 =	vadd.f32 v23, v5;
	v6 =	vadd.f32 v12, v6;
	v16 =	vmul.f32 v31, v16;
	v12 =	vld [tilespmem:s21+$0x60]  }
0x43: {  	v22 =	vadd.f32 v13, v19;
	v13 =	vld [tilespmem:s21+$0xE0];
	v23 =	vmul.f32 v63, v14;
	v4 =	vadd.f32 v17, v4  }
0x44: {  	v17 =	vmul.f32 v21, v14;
	v19 =	vadd.f32 v20, v5;
	v20 =	vadd.f32 v16, v6;
	v14 =	vld [tilespmem:s21+$0x70]  }
0x45: {  	s22 =	simm.s32 $0x0;
	s23 =	simm.s32 $0xC0;
	v21 =	vadd.f32 v26, v22;
	v16 =	vld [tilespmem:s21+$0xF0];
	v18 =	vmul.f32 v18, v2;
	v22 =	vadd.f32 v27, v4  }
.LBB2_3:
0x46: {  	v4 =	vld [tilespmem:s23+$0x30];
	v5 =	vadd.f32 v17, v19;
	v6 =	vadd.f32 v23, v20;
	v2 =	vmul.f32 v15, v2;
	s21 =	sadd.s32 $0x200, s21  }
0x47: {  	v15 =	vld [tilespmem:s21+$0xFFFFFF70];
	v10 =	vadd.f32 v10, v21;
	v11 =	vadd.f32 v11, v22;
	v12 =	vmul.f32 v12, v1  }
0x48: {  	v17 =	vld [tilespmem:s21+$0xFFFFFFF0];
	v5 =	vadd.f32 v18, v5;
	v2 =	vadd.f32 v2, v6;
	v6 =	vmul.f32 v13, v1  }
0x49: {  	v1 =	vld [tilespmem:s23+$0x20];
	v9 =	vadd.f32 v9, v10;
	v8 =	vadd.f32 v8, v11;
	v10 =	vmul.f32 v14, v0  }
0x4a: {  	v11 =	vld [tilespmem:s21+$0xFFFFFF60];
	v5 =	vadd.f32 v12, v5;
	v6 =	vadd.f32 v6, v2;
	v12 =	vmul.f32 v16, v0  }
0x4b: {  	v13 =	vld [tilespmem:s21+$0xFFFFFFE0];
	v14 =	vadd.f32 v7, v9;
	v16 =	vadd.f32 v3, v8;
	v0 =	vmov v4  }
0x4c: {  	v2 =	vld [tilespmem:s23+$0x10];
	v4 =	vadd.f32 v10, v5;
	v5 =	vadd.f32 v12, v6  }
0x4d: {  	v6 =	vld [tilespmem:s21+$0xFFFFFF50]  }
0x4e: {  	v12 =	vld [tilespmem:s21+$0xFFFFFFD0]  }
0x4f: {  	v18 =	vld [tilespmem:s23+$0x0]  }
0x50: {  	v19 =	vld [tilespmem:s21+$0xFFFFFF40]  }
0x51: {  	v20 =	vld [tilespmem:s21+$0xFFFFFFC0]  }
0x52: {  	v21 =	vld [tilespmem:s23+$0xFFFFFFF0]  }
0x53: {  	v22 =	vld [tilespmem:s21+$0xFFFFFF30]  }
0x54: {  	v23 =	vld [tilespmem:s21+$0xFFFFFFB0]  }
0x55: {  	v24 =	vld [tilespmem:s23+$0xFFFFFFE0]  }
0x56: {  	v25 =	vld [tilespmem:s21+$0xFFFFFF20]  }
0x57: {  	v26 =	vld [tilespmem:s21+$0xFFFFFFA0]  }
0x58: {  	v27 =	vld [tilespmem:s23+$0xFFFFFFD0]  }
0x59: {  	v28 =	vld [tilespmem:s21+$0xFFFFFF10]  }
0x5a: {  	v29 =	vld [tilespmem:s21+$0xFFFFFF90]  }
0x5b: {  	v30 =	vld [tilespmem:s23+$0xFFFFFFC0]  }
0x5c: {  	v7 =	vmul.f32 v15, v0;
	v3 =	vmul.f32 v17, v0;
	v31 =	vld [tilespmem:s21+$0xFFFFFF00]  }
0x5d: {  	v9 =	vmul.f32 v11, v1;
	v8 =	vmul.f32 v13, v1;
	v15 =	vld [tilespmem:s21+$0xFFFFFF80]  }
0x5e: {  	v10 =	vmul.f32 v6, v2;
	v11 =	vmul.f32 v12, v2;
	v13 =	vld [tilespmem:s21+$0x0]  }
0x5f: {  	s22 =	sadd.s32 $0x8, s22;
	v32 =	vmul.f32 v19, v18;
	v33 =	vmul.f32 v20, v18;
	v6 =	vld [tilespmem:s21+$0x80]  }
0x60: {  	p1 =	slt.u32 s22, $0x268;
	v17 =	vmul.f32 v22, v21;
	v19 =	vmul.f32 v23, v21;
	v12 =	vld [tilespmem:s21+$0x10]  }
0x61: {  	v22 =	vmul.f32 v25, v24;
	v23 =	vmul.f32 v26, v24;
	v20 =	vld [tilespmem:s21+$0x90]  }
0x62: {  	v25 =	vmul.f32 v28, v27;
	v26 =	vmul.f32 v29, v27;
	v28 =	vld [tilespmem:s21+$0x20]  }
0x63: {  	v29 =	vmul.f32 v31, v30;
	v15 =	vmul.f32 v15, v30;
	v31 =	vld [tilespmem:s21+$0xA0]  }
0x64: {  	v13 =	vmul.f32 v13, v30;
	v6 =	vmul.f32 v6, v30;
	v30 =	vld [tilespmem:s21+$0x30]  }
0x65: {  	v14 =	vadd.f32 v29, v14;
	v15 =	vadd.f32 v15, v16;
	v12 =	vmul.f32 v12, v27;
	v16 =	vld [tilespmem:s21+$0xB0]  }
0x66: {  	v4 =	vadd.f32 v13, v4;
	v5 =	vadd.f32 v6, v5;
	v6 =	vmul.f32 v20, v27;
	v13 =	vld [tilespmem:s21+$0x40]  }
0x67: {  	v14 =	vadd.f32 v25, v14;
	v15 =	vadd.f32 v26, v15;
	v20 =	vmul.f32 v28, v24;
	v25 =	vld [tilespmem:s21+$0xC0]  }
0x68: {  	v4 =	vadd.f32 v12, v4;
	v5 =	vadd.f32 v6, v5;
	v6 =	vmul.f32 v31, v24;
	v24 =	vld [tilespmem:s21+$0x50]  }
.Ltmp0:
0x69: {  	v14 =	vadd.f32 v22, v14;
	v22 =	vadd.f32 v23, v15;
	v23 =	vmul.f32 v30, v21;
	v15 =	vld [tilespmem:s21+$0xD0];
	(pc) =	sbr.rel @p1 .LBB2_3-.Ltmp0, $4  }
0x6a: {  	v4 =	vadd.f32 v20, v4;
	v5 =	vadd.f32 v6, v5;
	v6 =	vmul.f32 v16, v21;
	v12 =	vld [tilespmem:s21+$0x60]  }
0x6b: {  	v16 =	vadd.f32 v17, v14;
	v22 =	vadd.f32 v19, v22;
	v17 =	vmul.f32 v13, v18;
	v13 =	vld [tilespmem:s21+$0xE0]  }
0x6c: {  	v19 =	vadd.f32 v23, v4;
	v20 =	vadd.f32 v6, v5;
	v23 =	vmul.f32 v25, v18;
	v14 =	vld [tilespmem:s21+$0x70]  }
0x6d: {  	s23 =	sadd.s32 $0x80, s23;
	v21 =	vadd.f32 v32, v16;
	v22 =	vadd.f32 v33, v22;
	v18 =	vmul.f32 v24, v2;
	v16 =	vld [tilespmem:s21+$0xF0]  }
0x6e: {  	v24 =	vld [tilespmem:$0x2700];
	s21 =	sor.u32 $0x2, s20  }
0x6f: {  	v25 =	vld [tilespmem:$0xC380];
	p1 =	sge.u32 s21, s7  }
0x70: {  	v26 =	vld [tilespmem:$0xC400];
	s21 =	sshll.u32 @!p1 s21, $0x2  }
0x71: {  	v27 =	vld [tilespmem:$0xC480];
	s21 =	sadd.s32 @!p1 s5, s21  }
0x72: {  	v28 =	vld [tilespmem:$0xC500];
	_ =	swait.ge [sflag:s17], $0x9E00;
	s21 =	sshrl.u32 @!p1 s21, $0x3  }
0x73: {  	[sflag:s17] =	ssyncset.done $0x0;
	s21 =	smul.u32 @!p1 $0x2780, s21  }
0x74: {  	s31 =	simm.s32 $0x40;
	[sflag:s17] =	ssyncadd.s32 $0xFFFF6200;
	s22 =	simm.s32 @!p1 $0x200  }
0x75: {  	s23 =	simm.s32 @!p1 $0x400;
	s24 =	simm.s32 @!p1 $0x2780;
	s21 =	sadd.s32 @!p1 s1, s21  }
0x76: {  	[tilespmem:s24], [sflag:$0x1] =	stream.strided.gather @!p1 [hbm4b:s21+s22], $0x9E00, s23, s22, $0x38;
	[tilespmem:$0x16400] =	vst v63  }
0x77: {  	s21 =	simm.s32 $0xC770;
	v4 =	vld [tilespmem:s31+$0x30]  }
0x78: {  	v29 =	vld [tilespmem:s21+$0xFFFFFE80]  }
0x79: {  	v30 =	vld [tilespmem:s21+$0xFFFFFF00]  }
0x7a: {  	v5 =	vld [tilespmem:s31+$0x20]  }
0x7b: {  	v31 =	vld [tilespmem:s21+$0xFFFFFE70]  }
0x7c: {  	v32 =	vld [tilespmem:s21+$0xFFFFFEF0]  }
0x7d: {  	v6 =	vld [tilespmem:s31+$0x10]  }
0x7e: {  	v33 =	vld [tilespmem:s21+$0xFFFFFE60]  }
0x7f: {  	v34 =	vld [tilespmem:s21+$0xFFFFFEE0]  }
0x80: {  	v35 =	vld [tilespmem:s31+$0x0]  }
0x81: {  	v36 =	vld [tilespmem:s21+$0xFFFFFE50]  }
0x82: {  	v37 =	vld [tilespmem:s21+$0xFFFFFED0]  }
0x83: {  	v38 =	vld [tilespmem:s31+$0xFFFFFFF0]  }
0x84: {  	v39 =	vld [tilespmem:s21+$0xFFFFFE40]  }
0x85: {  	v40 =	vld [tilespmem:s21+$0xFFFFFEC0]  }
0x86: {  	v17 =	vadd.f32 v17, v19;
	v19 =	vadd.f32 v23, v20;
	v20 =	vld [tilespmem:s31+$0xFFFFFFE0]  }
0x87: {  	v2 =	vmul.f32 v15, v2;
	v10 =	vadd.f32 v10, v21;
	v11 =	vadd.f32 v11, v22;
	v21 =	vld [tilespmem:s21+$0xFFFFFE30]  }
0x88: {  	v12 =	vmul.f32 v12, v1;
	v15 =	vadd.f32 v18, v17;
	v1 =	vmul.f32 v13, v1;
	v18 =	vld [tilespmem:s31+$0xFFFFFFD0]  }
0x89: {  	v2 =	vadd.f32 v2, v19;
	v14 =	vmul.f32 v14, v0;
	v0 =	vmul.f32 v16, v0;
	v16 =	vld [tilespmem:s21+$0xFFFFFE20]  }
0x8a: {  	v9 =	vadd.f32 v9, v10;
	v8 =	vadd.f32 v8, v11;
	v23 =	vld [tilespmem:s21+$0xFFFFFEA0]  }
0x8b: {  	v12 =	vadd.f32 v12, v15;
	v1 =	vadd.f32 v1, v2;
	v19 =	vmul.f32 v25, v24;
	v25 =	vld [tilespmem:s31+$0xFFFFFFC0]  }
0x8c: {  	v22 =	vmul.f32 v26, v24;
	v2 =	vmul.f32 v27, v24;
	v9 =	vadd.f32 v7, v9;
	v26 =	vld [tilespmem:s21+$0xFFFFFE10]  }
0x8d: {  	v24 =	vmul.f32 v28, v24;
	v3 =	vadd.f32 v3, v8;
	v12 =	vadd.f32 v14, v12;
	v8 =	vld [tilespmem:s21+$0xFFFFFE90]  }
0x8e: {  	v28 =	vadd.f32 v0, v1;
	v27 =	vld [tilespmem:s21+$0xFFFFFF10];
	v10 =	vmul.f32 v29, v4;
	v7 =	vmul.f32 v30, v4  }
0x8f: {  	v0 =	vadd.f32 v19, v9;
	v9 =	vld [tilespmem:s21+$0xFFFFFF20];
	v13 =	vmul.f32 v31, v5;
	v11 =	vmul.f32 v32, v5  }
0x90: {  	v1 =	vadd.f32 v22, v3;
	v14 =	vmul.f32 v33, v6;
	v15 =	vmul.f32 v34, v6;
	v29 =	vld [tilespmem:s21+$0xFFFFFF90]  }
0x91: {  	v2 =	vadd.f32 v2, v12;
	v19 =	vld [tilespmem:s21+$0xFFFFFFA0];
	v59 =	vmul.f32 v36, v35;
	v12 =	vmul.f32 v16, v18  }
0x92: {  	v3 =	vadd.f32 v24, v28;
	v22 =	vld [tilespmem:s21+$0xFFFFFF30];
	v16 =	vmul.f32 v23, v18;
	v23 =	vmul.f32 v26, v25  }
0x93: {  	v17 =	vld [tilespmem:s21+$0xFFFFFEB0];
	v61 =	vmul.f32 v39, v38;
	v8 =	vmul.f32 v8, v25;
	v26 =	vimm.f32 $0.0e+00  }
0x94: {  	v24 =	vld [tilespmem:s21+$0xFFFFFFB0];
	v21 =	vmul.f32 v21, v20;
	v27 =	vmul.f32 v27, v25;
	v23 =	vadd.f32 v23, v26  }
0x95: {  	v28 =	vld [tilespmem:s21+$0xFFFFFF40];
	v9 =	vmul.f32 v9, v18;
	v8 =	vadd.f32 v8, v26;
	v25 =	vmul.f32 v29, v25  }
0x96: {  	v18 =	vmul.f32 v19, v18;
	v27 =	vadd.f32 v27, v26;
	v12 =	vadd.f32 v12, v23;
	v29 =	vld [tilespmem:s21+$0xFFFFFFC0]  }
0x97: {  	v8 =	vadd.f32 v16, v8;
	v16 =	vmul.f32 v22, v20;
	v22 =	vld [tilespmem:s21+$0xFFFFFFD0];
	v25 =	vadd.f32 v25, v26  }
0x98: {  	v62 =	vmul.f32 v40, v38;
	v17 =	vmul.f32 v17, v20;
	v9 =	vadd.f32 v9, v27;
	v26 =	vld [tilespmem:s21+$0xFFFFFF50]  }
0x99: {  	v63 =	vld [tilespmem:s21+$0xFFFFFF60];
	v20 =	vmul.f32 v24, v20;
	v12 =	vadd.f32 v21, v12;
	v18 =	vadd.f32 v18, v25  }
0x9a: {  	v19 =	vld [tilespmem:s21+$0xFFFFFFE0];
	v23 =	vmul.f32 v28, v38;
	v8 =	vadd.f32 v17, v8;
	v9 =	vadd.f32 v16, v9  }
0x9b: {  	v16 =	vld [tilespmem:s21+$0xFFFFFF70];
	v12 =	vadd.f32 v61, v12;
	v18 =	vadd.f32 v20, v18;
	v20 =	vmul.f32 v29, v38  }
0x9c: {  	v60 =	vmul.f32 v37, v35;
	v17 =	vld [tilespmem:s21+$0xFFFFFFF0];
	v8 =	vadd.f32 v62, v8;
	v23 =	vadd.f32 v23, v9  }
0x9d: {  	v27 =	vmul.f32 v22, v35;
	v21 =	vmul.f32 v26, v35;
	v24 =	vadd.f32 v20, v18;
	v18 =	vld [tilespmem:s21+$0xFFFFFF80]  }
0x9e: {  	s22 =	simm.s32 $0x0;
	s23 =	simm.s32 $0xC0;
	v22 =	vmul.f32 v63, v6;
	v25 =	vadd.f32 v59, v12;
	v26 =	vadd.f32 v60, v8;
	v20 =	vld [tilespmem:s21+$0x0]  }
.LBB2_5:
0x9f: {  	v8 =	vld [tilespmem:s23+$0x30];
	v9 =	vadd.f32 v21, v23;
	v12 =	vadd.f32 v27, v24;
	v6 =	vmul.f32 v19, v6;
	s21 =	sadd.s32 $0x200, s21  }
0xa0: {  	v19 =	vld [tilespmem:s21+$0xFFFFFE80];
	v14 =	vadd.f32 v14, v25;
	v15 =	vadd.f32 v15, v26;
	v16 =	vmul.f32 v16, v5  }
0xa1: {  	v21 =	vld [tilespmem:s21+$0xFFFFFF00];
	v9 =	vadd.f32 v22, v9;
	v6 =	vadd.f32 v6, v12;
	v12 =	vmul.f32 v17, v5  }
0xa2: {  	v5 =	vld [tilespmem:s23+$0x20];
	v13 =	vadd.f32 v13, v14;
	v11 =	vadd.f32 v11, v15;
	v14 =	vmul.f32 v18, v4  }
0xa3: {  	v15 =	vld [tilespmem:s21+$0xFFFFFE70];
	v9 =	vadd.f32 v16, v9;
	v12 =	vadd.f32 v12, v6;
	v16 =	vmul.f32 v20, v4  }
0xa4: {  	v17 =	vld [tilespmem:s21+$0xFFFFFEF0];
	v18 =	vadd.f32 v10, v13;
	v20 =	vadd.f32 v7, v11;
	v4 =	vmov v8  }
0xa5: {  	v6 =	vld [tilespmem:s23+$0x10];
	v8 =	vadd.f32 v14, v9;
	v9 =	vadd.f32 v16, v12  }
0xa6: {  	v12 =	vld [tilespmem:s21+$0xFFFFFE60]  }
0xa7: {  	v16 =	vld [tilespmem:s21+$0xFFFFFEE0]  }
0xa8: {  	v22 =	vld [tilespmem:s23+$0x0]  }
0xa9: {  	v23 =	vld [tilespmem:s21+$0xFFFFFE50]  }
0xaa: {  	v24 =	vld [tilespmem:s21+$0xFFFFFED0]  }
0xab: {  	v25 =	vld [tilespmem:s23+$0xFFFFFFF0]  }
0xac: {  	v26 =	vld [tilespmem:s21+$0xFFFFFE40]  }
0xad: {  	v27 =	vld [tilespmem:s21+$0xFFFFFEC0]  }
0xae: {  	v28 =	vld [tilespmem:s23+$0xFFFFFFE0]  }
0xaf: {  	v29 =	vld [tilespmem:s21+$0xFFFFFE30]  }
0xb0: {  	v30 =	vld [tilespmem:s21+$0xFFFFFEB0]  }
0xb1: {  	v31 =	vld [tilespmem:s23+$0xFFFFFFD0]  }
0xb2: {  	v32 =	vld [tilespmem:s21+$0xFFFFFE20]  }
0xb3: {  	v33 =	vld [tilespmem:s21+$0xFFFFFEA0]  }
0xb4: {  	v34 =	vld [tilespmem:s23+$0xFFFFFFC0]  }
0xb5: {  	v10 =	vmul.f32 v19, v4;
	v7 =	vmul.f32 v21, v4;
	v35 =	vld [tilespmem:s21+$0xFFFFFE10]  }
0xb6: {  	v13 =	vmul.f32 v15, v5;
	v11 =	vmul.f32 v17, v5;
	v19 =	vld [tilespmem:s21+$0xFFFFFE90]  }
0xb7: {  	v14 =	vmul.f32 v12, v6;
	v15 =	vmul.f32 v16, v6;
	v17 =	vld [tilespmem:s21+$0xFFFFFF10]  }
0xb8: {  	s22 =	sadd.s32 $0x8, s22;
	v36 =	vmul.f32 v23, v22;
	v37 =	vmul.f32 v24, v22;
	v12 =	vld [tilespmem:s21+$0xFFFFFF90]  }
0xb9: {  	p1 =	slt.u32 s22, $0x268;
	v21 =	vmul.f32 v26, v25;
	v23 =	vmul.f32 v27, v25;
	v16 =	vld [tilespmem:s21+$0xFFFFFF20]  }
0xba: {  	v26 =	vmul.f32 v29, v28;
	v27 =	vmul.f32 v30, v28;
	v24 =	vld [tilespmem:s21+$0xFFFFFFA0]  }
0xbb: {  	v29 =	vmul.f32 v32, v31;
	v30 =	vmul.f32 v33, v31;
	v32 =	vld [tilespmem:s21+$0xFFFFFF30]  }
0xbc: {  	v33 =	vmul.f32 v35, v34;
	v19 =	vmul.f32 v19, v34;
	v35 =	vld [tilespmem:s21+$0xFFFFFFB0]  }
0xbd: {  	v17 =	vmul.f32 v17, v34;
	v12 =	vmul.f32 v12, v34;
	v34 =	vld [tilespmem:s21+$0xFFFFFF40]  }
0xbe: {  	v18 =	vadd.f32 v33, v18;
	v19 =	vadd.f32 v19, v20;
	v16 =	vmul.f32 v16, v31;
	v20 =	vld [tilespmem:s21+$0xFFFFFFC0]  }
0xbf: {  	v8 =	vadd.f32 v17, v8;
	v9 =	vadd.f32 v12, v9;
	v12 =	vmul.f32 v24, v31;
	v17 =	vld [tilespmem:s21+$0xFFFFFF50]  }
0xc0: {  	v18 =	vadd.f32 v29, v18;
	v19 =	vadd.f32 v30, v19;
	v24 =	vmul.f32 v32, v28;
	v29 =	vld [tilespmem:s21+$0xFFFFFFD0]  }
0xc1: {  	v8 =	vadd.f32 v16, v8;
	v9 =	vadd.f32 v12, v9;
	v12 =	vmul.f32 v35, v28;
	v28 =	vld [tilespmem:s21+$0xFFFFFF60]  }
.Ltmp1:
0xc2: {  	v18 =	vadd.f32 v26, v18;
	v26 =	vadd.f32 v27, v19;
	v27 =	vmul.f32 v34, v25;
	v19 =	vld [tilespmem:s21+$0xFFFFFFE0];
	(pc) =	sbr.rel @p1 .LBB2_5-.Ltmp1, $4  }
0xc3: {  	v8 =	vadd.f32 v24, v8;
	v9 =	vadd.f32 v12, v9;
	v12 =	vmul.f32 v20, v25;
	v16 =	vld [tilespmem:s21+$0xFFFFFF70]  }
0xc4: {  	v20 =	vadd.f32 v21, v18;
	v26 =	vadd.f32 v23, v26;
	v21 =	vmul.f32 v17, v22;
	v17 =	vld [tilespmem:s21+$0xFFFFFFF0]  }
0xc5: {  	v23 =	vadd.f32 v27, v8;
	v24 =	vadd.f32 v12, v9;
	v27 =	vmul.f32 v29, v22;
	v18 =	vld [tilespmem:s21+$0xFFFFFF80]  }
0xc6: {  	s23 =	sadd.s32 $0x80, s23;
	v25 =	vadd.f32 v36, v20;
	v26 =	vadd.f32 v37, v26;
	v22 =	vmul.f32 v28, v6;
	v20 =	vld [tilespmem:s21+$0x0]  }
0xc7: {  	v28 =	vld [tilespmem:$0x2700];
	s21 =	sor.u32 $0x3, s20  }
0xc8: {  	v29 =	vld [tilespmem:$0x16180];
	p1 =	sge.u32 s21, s7  }
0xc9: {  	v30 =	vld [tilespmem:$0x16200];
	s21 =	sshll.u32 @!p1 s21, $0x2  }
0xca: {  	v31 =	vld [tilespmem:$0x16280];
	s21 =	sadd.s32 @!p1 s5, s21  }
0xcb: {  	v32 =	vld [tilespmem:$0x16300];
	_ =	swait.ge [sflag:s16], $0x9E00;
	s21 =	sshrl.u32 @!p1 s21, $0x3  }
0xcc: {  	[sflag:s16] =	ssyncset.done $0x0;
	s21 =	smul.u32 @!p1 $0x2780, s21  }
0xcd: {  	s31 =	simm.s32 $0x40;
	[sflag:s16] =	ssyncadd.s32 $0xFFFF6200;
	s22 =	simm.s32 @!p1 $0x200  }
0xce: {  	s23 =	simm.s32 @!p1 $0x400;
	s24 =	simm.s32 @!p1 $0xC580;
	s21 =	sadd.s32 @!p1 s21, s9  }
0xcf: {  	[tilespmem:s24], [sflag:$0x2] =	stream.strided.gather @!p1 [hbm4b:s21+s22], $0x9E00, s23, s22, $0x38;
	[tilespmem:$0x16400] =	vst v63  }
0xd0: {  	s21 =	simm.s32 $0x2880;
	v8 =	vld [tilespmem:s31+$0x30]  }
0xd1: {  	v33 =	vld [tilespmem:s21+$0xFFFFFF70]  }
0xd2: {  	v34 =	vld [tilespmem:s21+$0xFFFFFFF0]  }
0xd3: {  	v9 =	vld [tilespmem:s31+$0x20]  }
0xd4: {  	v35 =	vld [tilespmem:s21+$0xFFFFFF60]  }
0xd5: {  	v36 =	vld [tilespmem:s21+$0xFFFFFFE0]  }
0xd6: {  	v12 =	vld [tilespmem:s31+$0x10]  }
0xd7: {  	v37 =	vld [tilespmem:s21+$0xFFFFFF50]  }
0xd8: {  	v38 =	vld [tilespmem:s21+$0xFFFFFFD0]  }
0xd9: {  	v39 =	vld [tilespmem:s31+$0x0]  }
0xda: {  	v40 =	vld [tilespmem:s21+$0xFFFFFF40]  }
0xdb: {  	v41 =	vld [tilespmem:s21+$0xFFFFFFC0]  }
0xdc: {  	v42 =	vld [tilespmem:s31+$0xFFFFFFF0]  }
0xdd: {  	v43 =	vld [tilespmem:s21+$0xFFFFFF30]  }
0xde: {  	v44 =	vld [tilespmem:s21+$0xFFFFFFB0]  }
0xdf: {  	v21 =	vadd.f32 v21, v23;
	v23 =	vadd.f32 v27, v24;
	v24 =	vld [tilespmem:s31+$0xFFFFFFE0]  }
0xe0: {  	v6 =	vmul.f32 v19, v6;
	v14 =	vadd.f32 v14, v25;
	v25 =	vld [tilespmem:s21+$0xFFFFFF20]  }
0xe1: {  	v15 =	vadd.f32 v15, v26;
	v16 =	vmul.f32 v16, v5;
	v19 =	vadd.f32 v22, v21;
	v21 =	vld [tilespmem:s21+$0xFFFFFFA0]  }
0xe2: {  	v6 =	vadd.f32 v6, v23;
	v5 =	vmul.f32 v17, v5;
	v13 =	vadd.f32 v13, v14;
	v22 =	vld [tilespmem:s31+$0xFFFFFFD0]  }
0xe3: {  	v11 =	vadd.f32 v11, v15;
	v15 =	vmul.f32 v18, v4;
	v4 =	vmul.f32 v20, v4;
	v20 =	vld [tilespmem:s21+$0xFFFFFF10]  }
0xe4: {  	v18 =	vadd.f32 v16, v19;
	v23 =	vmul.f32 v29, v28;
	v26 =	vmul.f32 v30, v28;
	v27 =	vld [tilespmem:s21+$0xFFFFFF90]  }
0xe5: {  	v5 =	vadd.f32 v5, v6;
	v6 =	vmul.f32 v31, v28;
	v28 =	vmul.f32 v32, v28;
	v29 =	vld [tilespmem:s31+$0xFFFFFFC0]  }
0xe6: {  	v10 =	vadd.f32 v10, v13;
	v11 =	vadd.f32 v7, v11;
	v30 =	vld [tilespmem:s21+$0xFFFFFF00];
	v14 =	vmul.f32 v33, v8  }
0xe7: {  	v15 =	vadd.f32 v15, v18;
	v31 =	vld [tilespmem:s21+$0xFFFFFF80];
	v13 =	vmul.f32 v34, v8;
	v17 =	vmul.f32 v35, v9  }
0xe8: {  	v55 =	vadd.f32 v4, v5;
	v54 =	vld [tilespmem:s21+$0x0];
	v16 =	vmul.f32 v36, v9;
	v18 =	vmul.f32 v37, v12  }
0xe9: {  	v7 =	vadd.f32 v23, v10;
	v56 =	vld [tilespmem:s21+$0x80];
	v19 =	vmul.f32 v38, v12;
	v57 =	vmul.f32 v40, v39  }
0xea: {  	v4 =	vadd.f32 v26, v11;
	v10 =	vld [tilespmem:s21+$0x10];
	v58 =	vmul.f32 v41, v39;
	v59 =	vmul.f32 v43, v42  }
0xeb: {  	v5 =	vadd.f32 v6, v15;
	v11 =	vld [tilespmem:s21+$0x90];
	v23 =	vmul.f32 v25, v24;
	v15 =	vmul.f32 v20, v22  }
0xec: {  	v6 =	vadd.f32 v28, v55;
	v28 =	vld [tilespmem:s21+$0xA0];
	v20 =	vmul.f32 v27, v22;
	v26 =	vmul.f32 v30, v29  }
0xed: {  	v25 =	vld [tilespmem:s21+$0x20];
	v27 =	vmul.f32 v31, v29;
	v30 =	vimm.f32 $0.0e+00;
	v31 =	vmul.f32 v54, v29  }
0xee: {  	v61 =	vld [tilespmem:s21+$0x30];
	v60 =	vmul.f32 v44, v42;
	v29 =	vmul.f32 v56, v29;
	v26 =	vadd.f32 v26, v30  }
0xef: {  	v62 =	vld [tilespmem:s21+$0xB0];
	v10 =	vmul.f32 v10, v22;
	v27 =	vadd.f32 v27, v30;
	v31 =	vadd.f32 v31, v30  }
0xf0: {  	v11 =	vmul.f32 v11, v22;
	v22 =	vld [tilespmem:s21+$0x40];
	v29 =	vadd.f32 v29, v30;
	v15 =	vadd.f32 v15, v26  }
0xf1: {  	v21 =	vmul.f32 v21, v24;
	v20 =	vadd.f32 v20, v27;
	v26 =	vld [tilespmem:s21+$0xC0];
	v10 =	vadd.f32 v10, v31  }
0xf2: {  	v63 =	vld [tilespmem:s21+$0x50];
	v11 =	vadd.f32 v11, v29;
	v25 =	vmul.f32 v25, v24;
	v24 =	vmul.f32 v28, v24  }
0xf3: {  	v27 =	vmul.f32 v61, v42;
	v15 =	vadd.f32 v23, v15;
	v21 =	vadd.f32 v21, v20;
	v23 =	vld [tilespmem:s21+$0xD0]  }
0xf4: {  	v20 =	vld [tilespmem:s21+$0x60];
	v10 =	vadd.f32 v25, v10;
	v11 =	vadd.f32 v24, v11;
	v24 =	vmul.f32 v62, v42  }
0xf5: {  	v25 =	vmul.f32 v22, v39;
	v15 =	vadd.f32 v59, v15;
	v30 =	vadd.f32 v60, v21;
	v21 =	vld [tilespmem:s21+$0xE0]  }
0xf6: {  	v22 =	vld [tilespmem:s21+$0x70];
	v27 =	vadd.f32 v27, v10;
	v28 =	vadd.f32 v24, v11;
	v31 =	vmul.f32 v26, v39  }
0xf7: {  	s22 =	simm.s32 $0x0;
	s23 =	simm.s32 $0xC0;
	v26 =	vmul.f32 v63, v12;
	v24 =	vld [tilespmem:s21+$0xF0];
	v29 =	vadd.f32 v57, v15;
	v30 =	vadd.f32 v58, v30  }
.LBB2_7:
0xf8: {  	v10 =	vld [tilespmem:s23+$0x30];
	v11 =	vadd.f32 v25, v27;
	v15 =	vadd.f32 v31, v28;
	v12 =	vmul.f32 v23, v12;
	s21 =	sadd.s32 $0x200, s21  }
0xf9: {  	v23 =	vld [tilespmem:s21+$0xFFFFFF70];
	v18 =	vadd.f32 v18, v29;
	v19 =	vadd.f32 v19, v30;
	v20 =	vmul.f32 v20, v9  }
0xfa: {  	v25 =	vld [tilespmem:s21+$0xFFFFFFF0];
	v11 =	vadd.f32 v26, v11;
	v12 =	vadd.f32 v12, v15;
	v15 =	vmul.f32 v21, v9  }
0xfb: {  	v9 =	vld [tilespmem:s23+$0x20];
	v17 =	vadd.f32 v17, v18;
	v16 =	vadd.f32 v16, v19;
	v18 =	vmul.f32 v22, v8  }
0xfc: {  	v19 =	vld [tilespmem:s21+$0xFFFFFF60];
	v11 =	vadd.f32 v20, v11;
	v15 =	vadd.f32 v15, v12;
	v20 =	vmul.f32 v24, v8  }
0xfd: {  	v21 =	vld [tilespmem:s21+$0xFFFFFFE0];
	v22 =	vadd.f32 v14, v17;
	v24 =	vadd.f32 v13, v16;
	v8 =	vmov v10  }
0xfe: {  	v12 =	vld [tilespmem:s23+$0x10];
	v10 =	vadd.f32 v18, v11;
	v11 =	vadd.f32 v20, v15  }
0xff: {  	v15 =	vld [tilespmem:s21+$0xFFFFFF50]  }
0x100: {  	v20 =	vld [tilespmem:s21+$0xFFFFFFD0]  }
0x101: {  	v26 =	vld [tilespmem:s23+$0x0]  }
0x102: {  	v27 =	vld [tilespmem:s21+$0xFFFFFF40]  }
0x103: {  	v28 =	vld [tilespmem:s21+$0xFFFFFFC0]  }
0x104: {  	v29 =	vld [tilespmem:s23+$0xFFFFFFF0]  }
0x105: {  	v30 =	vld [tilespmem:s21+$0xFFFFFF30]  }
0x106: {  	v31 =	vld [tilespmem:s21+$0xFFFFFFB0]  }
0x107: {  	v32 =	vld [tilespmem:s23+$0xFFFFFFE0]  }
0x108: {  	v33 =	vld [tilespmem:s21+$0xFFFFFF20]  }
0x109: {  	v34 =	vld [tilespmem:s21+$0xFFFFFFA0]  }
0x10a: {  	v35 =	vld [tilespmem:s23+$0xFFFFFFD0]  }
0x10b: {  	v36 =	vld [tilespmem:s21+$0xFFFFFF10]  }
0x10c: {  	v37 =	vld [tilespmem:s21+$0xFFFFFF90]  }
0x10d: {  	v38 =	vld [tilespmem:s23+$0xFFFFFFC0]  }
0x10e: {  	v14 =	vmul.f32 v23, v8;
	v13 =	vmul.f32 v25, v8;
	v39 =	vld [tilespmem:s21+$0xFFFFFF00]  }
0x10f: {  	v17 =	vmul.f32 v19, v9;
	v16 =	vmul.f32 v21, v9;
	v23 =	vld [tilespmem:s21+$0xFFFFFF80]  }
0x110: {  	v18 =	vmul.f32 v15, v12;
	v19 =	vmul.f32 v20, v12;
	v21 =	vld [tilespmem:s21+$0x0]  }
0x111: {  	s22 =	sadd.s32 $0x8, s22;
	v40 =	vmul.f32 v27, v26;
	v41 =	vmul.f32 v28, v26;
	v15 =	vld [tilespmem:s21+$0x80]  }
0x112: {  	p1 =	slt.u32 s22, $0x268;
	v25 =	vmul.f32 v30, v29;
	v27 =	vmul.f32 v31, v29;
	v20 =	vld [tilespmem:s21+$0x10]  }
0x113: {  	v30 =	vmul.f32 v33, v32;
	v31 =	vmul.f32 v34, v32;
	v28 =	vld [tilespmem:s21+$0x90]  }
0x114: {  	v33 =	vmul.f32 v36, v35;
	v34 =	vmul.f32 v37, v35;
	v36 =	vld [tilespmem:s21+$0x20]  }
0x115: {  	v37 =	vmul.f32 v39, v38;
	v23 =	vmul.f32 v23, v38;
	v39 =	vld [tilespmem:s21+$0xA0]  }
0x116: {  	v21 =	vmul.f32 v21, v38;
	v15 =	vmul.f32 v15, v38;
	v38 =	vld [tilespmem:s21+$0x30]  }
0x117: {  	v22 =	vadd.f32 v37, v22;
	v23 =	vadd.f32 v23, v24;
	v20 =	vmul.f32 v20, v35;
	v24 =	vld [tilespmem:s21+$0xB0]  }
0x118: {  	v10 =	vadd.f32 v21, v10;
	v11 =	vadd.f32 v15, v11;
	v15 =	vmul.f32 v28, v35;
	v21 =	vld [tilespmem:s21+$0x40]  }
0x119: {  	v22 =	vadd.f32 v33, v22;
	v23 =	vadd.f32 v34, v23;
	v28 =	vmul.f32 v36, v32;
	v33 =	vld [tilespmem:s21+$0xC0]  }
0x11a: {  	v10 =	vadd.f32 v20, v10;
	v11 =	vadd.f32 v15, v11;
	v15 =	vmul.f32 v39, v32;
	v32 =	vld [tilespmem:s21+$0x50]  }
.Ltmp2:
0x11b: {  	v22 =	vadd.f32 v30, v22;
	v30 =	vadd.f32 v31, v23;
	v31 =	vmul.f32 v38, v29;
	v23 =	vld [tilespmem:s21+$0xD0];
	(pc) =	sbr.rel @p1 .LBB2_7-.Ltmp2, $4  }
0x11c: {  	v10 =	vadd.f32 v28, v10;
	v11 =	vadd.f32 v15, v11;
	v15 =	vmul.f32 v24, v29;
	v20 =	vld [tilespmem:s21+$0x60]  }
0x11d: {  	v24 =	vadd.f32 v25, v22;
	v30 =	vadd.f32 v27, v30;
	v25 =	vmul.f32 v21, v26;
	v21 =	vld [tilespmem:s21+$0xE0]  }
0x11e: {  	v27 =	vadd.f32 v31, v10;
	v28 =	vadd.f32 v15, v11;
	v31 =	vmul.f32 v33, v26;
	v22 =	vld [tilespmem:s21+$0x70]  }
0x11f: {  	s23 =	sadd.s32 $0x80, s23;
	v29 =	vadd.f32 v40, v24;
	v30 =	vadd.f32 v41, v30;
	v26 =	vmul.f32 v32, v12;
	v24 =	vld [tilespmem:s21+$0xF0]  }
0x120: {  	v32 =	vld [tilespmem:$0x2700];
	s20 =	sadd.s32 $0x4, s20  }
0x121: {  	v33 =	vld [tilespmem:$0xC380];
	p1 =	sge.u32 s20, s7  }
0x122: {  	v34 =	vld [tilespmem:$0xC400];
	s20 =	sshll.u32 @!p1 s20, $0x2  }
0x123: {  	v35 =	vld [tilespmem:$0xC480];
	s20 =	sadd.s32 @!p1 s5, s20  }
0x124: {  	v36 =	vld [tilespmem:$0xC500];
	_ =	swait.ge [sflag:s17], $0x9E00;
	s20 =	sshrl.u32 @!p1 s20, $0x3  }
0x125: {  	[sflag:s17] =	ssyncset.done $0x0;
	s20 =	smul.u32 @!p1 $0x2780, s20  }
0x126: {  	s31 =	simm.s32 $0x40;
	[sflag:s17] =	ssyncadd.s32 $0xFFFF6200;
	s21 =	simm.s32 @!p1 $0x200  }
0x127: {  	s22 =	simm.s32 @!p1 $0x400;
	s23 =	simm.s32 @!p1 $0x2780;
	s20 =	sadd.s32 @!p1 s1, s20  }
0x128: {  	[tilespmem:s23], [sflag:$0x1] =	stream.strided.gather @!p1 [hbm4b:s20+s21], $0x9E00, s22, s21, $0x38;
	[tilespmem:$0x16400] =	vst v63  }
0x129: {  	s20 =	simm.s32 $0xC770;
	v10 =	vld [tilespmem:s31+$0x30]  }
0x12a: {  	v37 =	vld [tilespmem:s20+$0xFFFFFE80]  }
0x12b: {  	v38 =	vld [tilespmem:s20+$0xFFFFFF00]  }
0x12c: {  	v11 =	vld [tilespmem:s31+$0x20]  }
0x12d: {  	v39 =	vld [tilespmem:s20+$0xFFFFFE70]  }
0x12e: {  	v40 =	vld [tilespmem:s20+$0xFFFFFEF0]  }
0x12f: {  	v15 =	vld [tilespmem:s31+$0x10]  }
0x130: {  	v41 =	vld [tilespmem:s20+$0xFFFFFE60]  }
0x131: {  	v42 =	vld [tilespmem:s20+$0xFFFFFEE0]  }
0x132: {  	v43 =	vld [tilespmem:s31+$0x0]  }
0x133: {  	v44 =	vld [tilespmem:s20+$0xFFFFFE50]  }
0x134: {  	v45 =	vld [tilespmem:s20+$0xFFFFFED0]  }
0x135: {  	v46 =	vld [tilespmem:s31+$0xFFFFFFF0]  }
0x136: {  	v47 =	vld [tilespmem:s20+$0xFFFFFE40]  }
0x137: {  	v48 =	vld [tilespmem:s20+$0xFFFFFEC0]  }
0x138: {  	v25 =	vadd.f32 v25, v27;
	v12 =	vmul.f32 v23, v12;
	v23 =	vld [tilespmem:s31+$0xFFFFFFE0]  }
0x139: {  	v27 =	vadd.f32 v31, v28;
	v18 =	vadd.f32 v18, v29;
	v28 =	vld [tilespmem:s20+$0xFFFFFE30]  }
0x13a: {  	v19 =	vadd.f32 v19, v30;
	v20 =	vmul.f32 v20, v9;
	v25 =	vadd.f32 v26, v25;
	v26 =	vld [tilespmem:s20+$0xFFFFFEB0]  }
0x13b: {  	v12 =	vadd.f32 v12, v27;
	v9 =	vmul.f32 v21, v9;
	v17 =	vadd.f32 v17, v18;
	v21 =	vld [tilespmem:s31+$0xFFFFFFD0]  }
0x13c: {  	v18 =	vadd.f32 v16, v19;
	v19 =	vmul.f32 v22, v8;
	v8 =	vmul.f32 v24, v8;
	v22 =	vld [tilespmem:s20+$0xFFFFFE20]  }
0x13d: {  	v20 =	vadd.f32 v20, v25;
	v24 =	vmul.f32 v33, v32;
	v25 =	vmul.f32 v34, v32;
	v27 =	vld [tilespmem:s20+$0xFFFFFEA0]  }
0x13e: {  	v9 =	vadd.f32 v9, v12;
	v29 =	vmul.f32 v35, v32;
	v30 =	vmul.f32 v36, v32;
	v31 =	vld [tilespmem:s31+$0xFFFFFFC0]  }
0x13f: {  	v12 =	vadd.f32 v14, v17;
	v61 =	vld [tilespmem:s20+$0xFFFFFE10];
	v16 =	vmul.f32 v37, v10;
	v14 =	vmul.f32 v38, v10  }
0x140: {  	v13 =	vadd.f32 v13, v18;
	v62 =	vld [tilespmem:s20+$0xFFFFFE90];
	v18 =	vmul.f32 v39, v11;
	v17 =	vmul.f32 v40, v11  }
0x141: {  	v63 =	vadd.f32 v19, v20;
	v49 =	vld [tilespmem:s20+$0xFFFFFF10];
	v20 =	vmul.f32 v41, v15;
	v19 =	vmul.f32 v42, v15  }
0x142: {  	v8 =	vadd.f32 v8, v9;
	v50 =	vld [tilespmem:s20+$0xFFFFFF90];
	v51 =	vmul.f32 v44, v43;
	v52 =	vmul.f32 v45, v43  }
0x143: {  	v12 =	vadd.f32 v24, v12;
	v24 =	vld [tilespmem:s20+$0xFFFFFF20];
	v53 =	vmul.f32 v47, v46;
	v54 =	vmul.f32 v48, v46  }
0x144: {  	v13 =	vadd.f32 v25, v13;
	v25 =	vld [tilespmem:s20+$0xFFFFFFA0];
	v28 =	vmul.f32 v28, v23;
	v26 =	vmul.f32 v26, v23  }
0x145: {  	v9 =	vadd.f32 v29, v63;
	v29 =	vld [tilespmem:s20+$0xFFFFFF30];
	v22 =	vmul.f32 v22, v21;
	v27 =	vmul.f32 v27, v21  }
0x146: {  	v8 =	vadd.f32 v30, v8;
	v56 =	vld [tilespmem:s20+$0xFFFFFFB0];
	v30 =	vmul.f32 v61, v31;
	v55 =	vmul.f32 v62, v31  }
0x147: {  	v57 =	vimm.f32 $0.0e+00;
	v59 =	vld [tilespmem:s20+$0xFFFFFFC0];
	v35 =	vmul.f32 v49, v31;
	v31 =	vmul.f32 v50, v31  }
0x148: {  	v58 =	vld [tilespmem:s20+$0xFFFFFF40];
	v24 =	vmul.f32 v24, v21;
	v30 =	vadd.f32 v30, v57;
	v32 =	vadd.f32 v55, v57  }
0x149: {  	v21 =	vmul.f32 v25, v21;
	v25 =	vld [tilespmem:s20+$0xFFFFFF50];
	v35 =	vadd.f32 v35, v57;
	v31 =	vadd.f32 v31, v57  }
0x14a: {  	v29 =	vmul.f32 v29, v23;
	v22 =	vadd.f32 v22, v30;
	v27 =	vadd.f32 v27, v32;
	v30 =	vld [tilespmem:s20+$0xFFFFFFD0]  }
0x14b: {  	v23 =	vmul.f32 v56, v23;
	v61 =	vld [tilespmem:s20+$0xFFFFFF60];
	v60 =	vadd.f32 v24, v35;
	v21 =	vadd.f32 v21, v31  }
0x14c: {  	v62 =	vmul.f32 v59, v46;
	v24 =	vld [tilespmem:s20+$0xFFFFFFE0];
	v22 =	vadd.f32 v28, v22;
	v26 =	vadd.f32 v26, v27  }
0x14d: {  	v28 =	vmul.f32 v58, v46;
	v29 =	vadd.f32 v29, v60;
	v21 =	vadd.f32 v23, v21;
	v23 =	vld [tilespmem:s20+$0xFFFFFF70]  }
0x14e: {  	v27 =	vmul.f32 v25, v43;
	v63 =	vadd.f32 v53, v22;
	v26 =	vadd.f32 v54, v26;
	v22 =	vld [tilespmem:s20+$0xFFFFFFF0]  }
0x14f: {  	v25 =	vld [tilespmem:s20+$0xFFFFFF80];
	v31 =	vadd.f32 v28, v29;
	v28 =	vadd.f32 v62, v21;
	v29 =	vmul.f32 v30, v43  }
0x150: {  	s21 =	simm.s32 $0x0;
	s22 =	simm.s32 $0xC0;
	v21 =	vld [tilespmem:s20+$0x0];
	v32 =	vadd.f32 v51, v63;
	v30 =	vadd.f32 v52, v26;
	v26 =	vmul.f32 v61, v15  }
.LBB2_9:
0x151: {  	v33 =	vld [tilespmem:s22+$0x30];
	v27 =	vadd.f32 v27, v31;
	v28 =	vadd.f32 v29, v28;
	v15 =	vmul.f32 v24, v15;
	s20 =	sadd.s32 $0x200, s20  }
0x152: {  	v24 =	vld [tilespmem:s20+$0xFFFFFE80];
	v20 =	vadd.f32 v20, v32;
	v19 =	vadd.f32 v19, v30;
	v23 =	vmul.f32 v23, v11  }
0x153: {  	v29 =	vld [tilespmem:s20+$0xFFFFFF00];
	v26 =	vadd.f32 v26, v27;
	v15 =	vadd.f32 v15, v28;
	v22 =	vmul.f32 v22, v11  }
0x154: {  	v11 =	vld [tilespmem:s22+$0x20];
	v18 =	vadd.f32 v18, v20;
	v17 =	vadd.f32 v17, v19;
	v19 =	vmul.f32 v25, v10  }
0x155: {  	v20 =	vld [tilespmem:s20+$0xFFFFFE70];
	v23 =	vadd.f32 v23, v26;
	v22 =	vadd.f32 v22, v15;
	v21 =	vmul.f32 v21, v10  }
0x156: {  	v25 =	vld [tilespmem:s20+$0xFFFFFEF0];
	v26 =	vadd.f32 v16, v18;
	v27 =	vadd.f32 v14, v17;
	v10 =	vmov v33  }
0x157: {  	v15 =	vld [tilespmem:s22+$0x10];
	v23 =	vadd.f32 v19, v23;
	v21 =	vadd.f32 v21, v22  }
0x158: {  	v19 =	vld [tilespmem:s20+$0xFFFFFE60]  }
0x159: {  	v22 =	vld [tilespmem:s20+$0xFFFFFEE0]  }
0x15a: {  	v30 =	vld [tilespmem:s22+$0x0]  }
0x15b: {  	v28 =	vld [tilespmem:s20+$0xFFFFFE50]  }
0x15c: {  	v31 =	vld [tilespmem:s20+$0xFFFFFED0]  }
0x15d: {  	v32 =	vld [tilespmem:s22+$0xFFFFFFF0]  }
0x15e: {  	v33 =	vld [tilespmem:s20+$0xFFFFFE40]  }
0x15f: {  	v34 =	vld [tilespmem:s20+$0xFFFFFEC0]  }
0x160: {  	v35 =	vld [tilespmem:s22+$0xFFFFFFE0]  }
0x161: {  	v36 =	vld [tilespmem:s20+$0xFFFFFE30]  }
0x162: {  	v37 =	vld [tilespmem:s20+$0xFFFFFEB0]  }
0x163: {  	v38 =	vld [tilespmem:s22+$0xFFFFFFD0]  }
0x164: {  	v39 =	vld [tilespmem:s20+$0xFFFFFE20]  }
0x165: {  	v40 =	vld [tilespmem:s20+$0xFFFFFEA0]  }
0x166: {  	v41 =	vld [tilespmem:s22+$0xFFFFFFC0]  }
0x167: {  	v16 =	vmul.f32 v24, v10;
	v14 =	vmul.f32 v29, v10;
	v42 =	vld [tilespmem:s20+$0xFFFFFE10]  }
0x168: {  	v18 =	vmul.f32 v20, v11;
	v17 =	vmul.f32 v25, v11;
	v24 =	vld [tilespmem:s20+$0xFFFFFE90]  }
0x169: {  	v20 =	vmul.f32 v19, v15;
	v19 =	vmul.f32 v22, v15;
	v25 =	vld [tilespmem:s20+$0xFFFFFF10]  }
0x16a: {  	s21 =	sadd.s32 $0x8, s21;
	v43 =	vmul.f32 v28, v30;
	v44 =	vmul.f32 v31, v30;
	v22 =	vld [tilespmem:s20+$0xFFFFFF90]  }
0x16b: {  	p1 =	slt.u32 s21, $0x268;
	v29 =	vmul.f32 v33, v32;
	v31 =	vmul.f32 v34, v32;
	v28 =	vld [tilespmem:s20+$0xFFFFFF20]  }
0x16c: {  	v34 =	vmul.f32 v36, v35;
	v36 =	vmul.f32 v37, v35;
	v33 =	vld [tilespmem:s20+$0xFFFFFFA0]  }
0x16d: {  	v37 =	vmul.f32 v39, v38;
	v39 =	vmul.f32 v40, v38;
	v40 =	vld [tilespmem:s20+$0xFFFFFF30]  }
0x16e: {  	v42 =	vmul.f32 v42, v41;
	v24 =	vmul.f32 v24, v41;
	v45 =	vld [tilespmem:s20+$0xFFFFFFB0]  }
0x16f: {  	v25 =	vmul.f32 v25, v41;
	v22 =	vmul.f32 v22, v41;
	v41 =	vld [tilespmem:s20+$0xFFFFFF40]  }
0x170: {  	v26 =	vadd.f32 v42, v26;
	v24 =	vadd.f32 v24, v27;
	v27 =	vmul.f32 v28, v38;
	v28 =	vld [tilespmem:s20+$0xFFFFFFC0]  }
0x171: {  	v23 =	vadd.f32 v25, v23;
	v21 =	vadd.f32 v22, v21;
	v22 =	vmul.f32 v33, v38;
	v25 =	vld [tilespmem:s20+$0xFFFFFF50]  }
0x172: {  	v26 =	vadd.f32 v37, v26;
	v24 =	vadd.f32 v39, v24;
	v33 =	vmul.f32 v40, v35;
	v37 =	vld [tilespmem:s20+$0xFFFFFFD0]  }
0x173: {  	v23 =	vadd.f32 v27, v23;
	v21 =	vadd.f32 v22, v21;
	v22 =	vmul.f32 v45, v35;
	v35 =	vld [tilespmem:s20+$0xFFFFFF60]  }
.Ltmp3:
0x174: {  	v26 =	vadd.f32 v34, v26;
	v27 =	vadd.f32 v36, v24;
	v34 =	vmul.f32 v41, v32;
	v24 =	vld [tilespmem:s20+$0xFFFFFFE0];
	(pc) =	sbr.rel @p1 .LBB2_9-.Ltmp3, $4  }
0x175: {  	v33 =	vadd.f32 v33, v23;
	v21 =	vadd.f32 v22, v21;
	v28 =	vmul.f32 v28, v32;
	v23 =	vld [tilespmem:s20+$0xFFFFFF70]  }
0x176: {  	v26 =	vadd.f32 v29, v26;
	v36 =	vadd.f32 v31, v27;
	v27 =	vmul.f32 v25, v30;
	v22 =	vld [tilespmem:s20+$0xFFFFFFF0]  }
0x177: {  	v31 =	vadd.f32 v34, v33;
	v28 =	vadd.f32 v28, v21;
	v29 =	vmul.f32 v37, v30;
	v25 =	vld [tilespmem:s20+$0xFFFFFF80]  }
0x178: {  	s22 =	sadd.s32 $0x80, s22;
	v32 =	vadd.f32 v43, v26;
	v30 =	vadd.f32 v44, v36;
	v26 =	vmul.f32 v35, v15;
	v21 =	vld [tilespmem:s20+$0x0]  }
0x179: {  	(xrf2) =	vadd.scan.msk.f32 $0xffff, v0  }
0x17a: {  	(xrf2) =	vadd.scan.msk.f32 $0xffff, v1  }
0x17b: {  	v57 =	vld [tilespmem:$0x2700];
	(xrf2) =	vadd.scan.msk.f32 $0xffff, v2  }
0x17c: {  	v58 =	vld [tilespmem:$0x16180];
	(xrf2) =	vadd.scan.msk.f32 $0xffff, v3  }
0x17d: {  	v59 =	vadd.f32 v27, v31;
	v61 =	vld [tilespmem:$0x16200];
	v60 =	vadd.f32 v20, v32;
	(xrf2) =	vadd.scan.msk.f32 $0xffff, v7  }
0x17e: {  	v62 =	vadd.f32 v29, v28;
	v15 =	vmul.f32 v24, v15;
	v63 =	vld [tilespmem:$0x16280];
	v19 =	vadd.f32 v19, v30;
	(xrf2) =	vadd.scan.msk.f32 $0xffff, v4  }
0x17f: {  	v23 =	vmul.f32 v23, v11;
	v2 =	vadd.f32 v26, v59;
	v3 =	vadd.f32 v18, v60;
	(xrf2) =	vadd.scan.msk.f32 $0xffff, v5  }
0x180: {  	v26 =	vadd.f32 v15, v62;
	v27 =	vadd.f32 v17, v19;
	v28 =	vmul.f32 v25, v10;
	(xrf2) =	vadd.scan.msk.f32 $0xffff, v6  }
0x181: {  	v29 =	vld [tilespmem:$0x16300];
	v2 =	vadd.f32 v23, v2;
	v3 =	vadd.f32 v16, v3;
	v1 =	vmul.f32 v58, v57;
	(xrf2) =	vadd.scan.msk.f32 $0xffff, v12  }
0x182: {  	v30 =	vmul.f32 v22, v11;
	v7 =	vadd.f32 v14, v27;
	v31 =	vmul.f32 v61, v57;
	(xrf2) =	vadd.scan.msk.f32 $0xffff, v13  }
0x183: {  	v32 =	vmul.f32 v63, v57;
	v2 =	vadd.f32 v28, v2;
	v1 =	vadd.f32 v1, v3;
	v33, _, _ =	vpop (xrf2);
	(xrf2) =	vadd.scan.msk.f32 $0xffff, v9  }
0x184: {  	v34 =	vmul.f32 v21, v10;
	v5 =	vadd.f32 v30, v26;
	v7 =	vadd.f32 v31, v7;
	v35, _, _ =	vpop (xrf2);
	(xrf2) =	vadd.scan.msk.f32 $0xffff, v8  }
0x185: {  	v2 =	vadd.f32 v32, v2;
	v36 =	vbroadcast v33, $0xF;
	v37 =	vbroadcast v35, $0xF;
	v38, _, _ =	vpop (xrf2);
	(xrf2) =	vadd.scan.msk.f32 $0xffff, v1  }
0x186: {  	v0 =	vmul.f32 v29, v57;
	v39 =	vadd.f32 v34, v5;
	v40 =	vbroadcast v38, $0xF;
	v41, _, _ =	vpop (xrf2);
	(xrf2) =	vadd.scan.msk.f32 $0xffff, v7  }
0x187: {  	v3 =	vsel vm0, v36, v37;
	v5 =	vbroadcast v41, $0xF;
	v42, _, _ =	vpop (xrf2);
	(xrf2) =	vadd.scan.msk.f32 $0xffff, v2  }
0x188: {  	v0 =	vadd.f32 v0, v39;
	v43, _, _ =	vpop (xrf2);
	v44 =	vsel vm1, v3, v40;
	v45 =	vbroadcast v42, $0xF  }
0x189: {  	v46, _, _ =	vpop (xrf2);
	v1 =	vsel vm2, v44, v5;
	v2 =	vbroadcast v43, $0xF  }
0x18a: {  	(xrf2) =	vadd.scan.msk.f32 $0xffff, v0;
	v1 =	vsel vm3, v1, v45;
	v47 =	vbroadcast v46, $0xF;
	v48, _, _ =	vpop (xrf2)  }
0x18b: {  	v49, _, _ =	vpop (xrf2);
	v1 =	vsel vm4, v1, v2;
	v50 =	vbroadcast v48, $0xF  }
0x18c: {  	v51, _, _ =	vpop (xrf2);
	v1 =	vsel vm5, v1, v47;
	v0 =	vbroadcast v49, $0xF  }
0x18d: {  	v52, _, _ =	vpop (xrf2);
	v1 =	vsel vm6, v1, v50;
	v53 =	vbroadcast v51, $0xF  }
0x18e: {  	v54, _, _ =	vpop (xrf2);
	v0 =	vsel vm7, v1, v0;
	v55 =	vbroadcast v52, $0xF  }
0x18f: {  	v56, _, _ =	vpop (xrf2);
	v0 =	vsel vm8, v0, v53;
	v57 =	vbroadcast v54, $0xF  }
0x190: {  	s20 =	sshll.u32 s19, $0x6;
	s19 =	sadd.s32 $0x1, s19;
	v58, _, _ =	vpop (xrf2);
	v0 =	vsel vm9, v0, v55;
	v59 =	vbroadcast v56, $0xF  }
0x191: {  	p1 =	sne.s32 s19, s6;
	v60, _, _ =	vpop (xrf2);
	v0 =	vsel vm10, v0, v57;
	v61 =	vbroadcast v58, $0xF  }
.Ltmp4:
0x192: {  	v0 =	vsel vm11, v0, v59;
	v62 =	vbroadcast v60, $0xF;
	(pc) =	sbr.rel @p1 .LBB2_2-.Ltmp4, $4  }
0x193: {  	v0 =	vsel vm12, v0, v61  }
0x194: {  	v63, _, _ =	vpop (xrf2);
	v0 =	vsel vm13, v0, v62  }
0x195: {  	s20 =	sshra.s32 s20, $0x2;
	v0 =	vsel vm14, v0, v63  }
0x196: {  	[tilespmem:s20+$0x16380] =	vst v0  }
0x197: {  	s19 =	simm.s32 @p0 $0x0;
	s20 =	simm.s32 @p0 $0x16380  }
0x198: {  	[hbm4b:s10+s19] =	stream.linear.scatter @p0 [tilespmem:s20], [sflag:$0x3], $0x70, $0x38;
	[tilespmem:$0x16400] =	vst v63  }
0x199: {  	s19 =	simm.s32 @p0 $0x3  }
0x19a: {  	_ =	swait.ge @p0 [sflag:s19], $0x70  }
0x19b: {  	s18 =	sadd.s32 $0x1, s18;
	s20 =	simm.s32 @!p0 $0x16380;
	[sflag:s19] =	ssyncset.done @p0 $0x0  }
0x19c: {  	p1 =	sne.s32 s18, s11;
	[sflag:s19] =	ssyncadd.s32 @p0 $0xFFFFFF90;
	s19 =	simm.s32 @!p0 $0x0  }
0x19d: {  	[hbm4b:s10+s19] =	stream.linear.scatter @!p0 [tilespmem:s20], [sflag:$0x3], $0x80, $0x38;
	[tilespmem:$0x16400] =	vst v63  }
.Ltmp5:
0x19e: {  	_ = 	snop;
	(pc) =	sbr.rel @p1 .LBB2_1-.Ltmp5, $4  }
0x19f: {  	s19 =	simm.s32 @!p0 $0x3  }
0x1a0: {  	_ =	swait.ge @!p0 [sflag:s19], $0x80  }
0x1a1: {  	[sflag:s19] =	ssyncset.done @!p0 $0x0  }
0x1a2: {  	[sflag:s19] =	ssyncadd.s32 @!p0 $0xFFFFFF80  }
0x1a3: {  	_ =	sfence.sel $0x180000  }
0x1a4: {  	[bflag:$0x0] =	sbarrier.arrive $0xFFFF  }
0x1a5: {  	p0 =	sne.s32 s0, $0x0;
	_ =	strace $0x90000047  }
0x1a6: {  	s0 =	sadd.s32 @!p0 $0x100000, s2;
	[bflag:$0x2] =	sbarrier.arrive $0xFFFF  }
0x1a7: {  	[sflag:s0] =	ssyncadd.tile.s32 @!p0 $0x1;
	_ =	shalt  }
.Lfunc_end2:
_tile_overlayer_lowered:
.L_overlay_start_2:
0x1a8: {  	(tag) =	ssettag $0x2  }
0x1a9: {  	s0 =	rddreg [dreg:$0x0];
	s2 =	stileid.u32  }
0x1aa: {  	s1 =	rddreg [dreg:$0x1];
	p0 =	sne.s32 s2, $0x0  }
0x1ab: {  	s3 =	rddreg [dreg:$0x2];
	[bflag:$0x3] =	sbarrier.arrive $0xFFFF;
	s2 =	simm.s32 @!p0 $0x1C03  }
0x1ac: {  	[timem:s3], [sflag:s2] =	dma.local @!p0 [hbm:s0], s1  }
0x1ad: {  	s0 =	simm.s32 @!p0 $0x3  }
0x1ae: {  	_ =	swait.ge @!p0 [sflag:s0], s1  }
0x1af: {  	s1 =	ssub.s32 @!p0 $0x0, s1;
	[sflag:s0] =	ssyncset.done @!p0 $0x0  }
0x1b0: {  	[sflag:s0] =	ssyncadd.s32 @!p0 s1  }
0x1b1: {  	[bflag:$0x3] =	sbarrier.arrive $0xFFFF  }
0x1b2: {  	_ =	shalt  }

</sc_bundles>
